<compile_context>
chip_gen: v7x
topology: tpu7x:2x2x1
jax: 0.10.2.dev20260603
libtpu: 0.0.44.dev20260713+nightly
codegen_flags: <defaults>
</compile_context>

<pallas_src>
import functools

import jax
import jax.numpy as jnp
from jax import lax
from jax.experimental import pallas as pl
from jax.experimental.pallas import tpu as pltpu
from jax.experimental.pallas import tpu_sc as plsc

D_MODEL = 768
D_QUERY = 128
NUM_HEADS = 4
NUM_EXPERTS = 64
TOP_K = 2
NUM_SUB_KEYS = 8
EPS = 1e-5
N_TOKENS = 32768

NF = NUM_HEADS * D_QUERY
NS = NUM_HEADS * 2 * NUM_SUB_KEYS

NUM_WORKERS = 32
TOK_PER_W = N_TOKENS // NUM_WORKERS
GROUPS = TOK_PER_W // 16

BT1 = 1024
BT2 = 1024


def _stats_kernel(x_ref, w_ref, b_ref, sum_ref, sq_ref, q_ref):
    q = lax.dot_general(x_ref[...], w_ref[...], (((1,), (1,)), ((), ())),
                        preferred_element_type=jnp.float32)
    q = q + b_ref[...]
    q_ref[...] = q

    @pl.when(pl.program_id(0) == 0)
    def _():
        sum_ref[...] = jnp.zeros_like(sum_ref)
        sq_ref[...] = jnp.zeros_like(sq_ref)

    sum_ref[...] += jnp.sum(q, axis=0, keepdims=True)
    sq_ref[...] += jnp.sum(q * q, axis=0, keepdims=True)


def _stats(x, w512, b512):
    return pl.pallas_call(
        _stats_kernel,
        grid=(N_TOKENS // BT1,),
        in_specs=[
            pl.BlockSpec((BT1, D_MODEL), lambda i: (i, 0)),
            pl.BlockSpec((NF, D_MODEL), lambda i: (0, 0)),
            pl.BlockSpec((1, NF), lambda i: (0, 0)),
        ],
        out_specs=[
            pl.BlockSpec((1, NF), lambda i: (0, 0)),
            pl.BlockSpec((1, NF), lambda i: (0, 0)),
            pl.BlockSpec((BT1, NF), lambda i: (i, 0)),
        ],
        out_shape=[
            jax.ShapeDtypeStruct((1, NF), jnp.float32),
            jax.ShapeDtypeStruct((1, NF), jnp.float32),
            jax.ShapeDtypeStruct((N_TOKENS, NF), jnp.float32),
        ],
        compiler_params=pltpu.CompilerParams(
            dimension_semantics=("arbitrary",)),
    )(x, w512, b512)


def _scores_kernel(q_ref, mu_ref, ig_ref, be_ref, kbig_ref, out_ref):
    qn = (q_ref[...] - mu_ref[...]) * ig_ref[...] + be_ref[...]
    st = lax.dot_general(kbig_ref[...], qn, (((1,), (1,)), ((), ())),
                         preferred_element_type=jnp.float32)
    out_ref[...] = st[None]


def _scores(q, mu, ig, be512, kbig):
    full = lambda shape: pl.BlockSpec(shape, lambda i: (0,) * len(shape))
    return pl.pallas_call(
        _scores_kernel,
        grid=(N_TOKENS // BT2,),
        in_specs=[
            pl.BlockSpec((BT2, NF), lambda i: (i, 0)),
            full((1, NF)),
            full((1, NF)),
            full((1, NF)),
            full((NS, NF)),
        ],
        out_specs=pl.BlockSpec((1, NS, BT2), lambda i: (i, 0, 0)),
        out_shape=jax.ShapeDtypeStruct((NUM_WORKERS, NS, TOK_PER_W),
                                       jnp.float32),
        compiler_params=pltpu.CompilerParams(
            dimension_semantics=("arbitrary",)),
    )(q, mu, ig, be512, kbig)


def _top2_of_8(s_v, r, t0):
    v0 = s_v[r, pl.ds(t0, 16)]
    v1 = s_v[r + 1, pl.ds(t0, 16)]
    c0 = jnp.zeros((16,), jnp.int32)
    c1 = jnp.full((16,), 1, jnp.int32)
    gt = v1 > v0
    m1 = jnp.where(gt, v1, v0)
    i1 = jnp.where(gt, c1, c0)
    m2 = jnp.where(gt, v0, v1)
    i2 = jnp.where(gt, c0, c1)
    for i in range(2, NUM_SUB_KEYS):
        v = s_v[r + i, pl.ds(t0, 16)]
        ci = jnp.full((16,), i, jnp.int32)
        gt1 = v > m1
        gt2 = v > m2
        m2n = jnp.where(gt1, m1, jnp.where(gt2, v, m2))
        i2n = jnp.where(gt1, i1, jnp.where(gt2, ci, i2))
        m1 = jnp.where(gt1, v, m1)
        i1 = jnp.where(gt1, ci, i1)
        m2, i2 = m2n, i2n
    return m1, i1, m2, i2


def _select_body(s_hbm, outs_hbm, outi_hbm, s_v, os_v, oi_v):
    cid = lax.axis_index("c")
    sid = lax.axis_index("s")
    wid = sid * 2 + cid
    pltpu.sync_copy(s_hbm.at[wid], s_v)

    def group(g, carry):
        t0 = g * 16
        for h in range(NUM_HEADS):
            r = h * 2 * NUM_SUB_KEYS
            s11, i11, s12, i12 = _top2_of_8(s_v, r, t0)
            s21, i21, s22, i22 = _top2_of_8(s_v, r + NUM_SUB_KEYS, t0)
            best = s11 + s21
            alt1 = s11 + s22
            alt2 = s12 + s21
            use1 = alt1 >= alt2
            second = jnp.where(use1, alt1, alt2)
            f1 = jnp.where(use1, i11, i12)
            f2 = jnp.where(use1, i22, i21)
            e_best = i11 * NUM_SUB_KEYS + i21
            e_second = f1 * NUM_SUB_KEYS + f2
            e = jnp.exp(second - best)
            denom = e + 1.0
            p_best = 1.0 / denom
            p_second = e / denom
            os_v[h * 2, pl.ds(t0, 16)] = p_best
            os_v[h * 2 + 1, pl.ds(t0, 16)] = p_second
            oi_v[h * 2, pl.ds(t0, 16)] = e_best
            oi_v[h * 2 + 1, pl.ds(t0, 16)] = e_second
        return carry

    lax.fori_loop(0, GROUPS, group, 0)

    pltpu.sync_copy(os_v, outs_hbm.at[wid])
    pltpu.sync_copy(oi_v, outi_hbm.at[wid])


def _select(s_layout):
    mesh = plsc.VectorSubcoreMesh(core_axis_name="c", subcore_axis_name="s")
    hk = NUM_HEADS * TOP_K
    fn = functools.partial(
        pl.kernel,
        mesh=mesh,
        out_type=[
            jax.ShapeDtypeStruct((NUM_WORKERS, hk, TOK_PER_W), jnp.float32),
            jax.ShapeDtypeStruct((NUM_WORKERS, hk, TOK_PER_W), jnp.int32),
        ],
        scratch_types=[
            pltpu.VMEM((NS, TOK_PER_W), jnp.float32),
            pltpu.VMEM((hk, TOK_PER_W), jnp.float32),
            pltpu.VMEM((hk, TOK_PER_W), jnp.int32),
        ],
    )(_select_body)
    return fn(s_layout)


def kernel(x_flat, Wq, bq, gamma, beta, K1, K2):
    w512 = Wq.reshape(NF, D_MODEL)
    b512 = bq.reshape(1, NF)
    s_sum, s_sq, q = _stats(x_flat, w512, b512)

    n = jnp.float32(N_TOKENS)
    mu = s_sum / n
    var = s_sq / n - mu * mu
    ig = gamma.reshape(1, NF) / jnp.sqrt(var + EPS)

    half = D_QUERY // 2
    kbig = jnp.zeros((NS, NF), jnp.float32)
    for h in range(NUM_HEADS):
        r = h * 2 * NUM_SUB_KEYS
        c0 = h * D_QUERY
        kbig = kbig.at[r:r + NUM_SUB_KEYS, c0:c0 + half].set(K1)
        kbig = kbig.at[r + NUM_SUB_KEYS:r + 2 * NUM_SUB_KEYS,
                       c0 + half:c0 + D_QUERY].set(K2)

    s_layout = _scores(q, mu, ig, beta.reshape(1, NF), kbig)
    scores_t, idx_t = _select(s_layout)

    def _untranspose(a):
        return (a.reshape(NUM_WORKERS, NUM_HEADS, TOP_K, TOK_PER_W)
                 .transpose(0, 3, 1, 2)
                 .reshape(N_TOKENS, NUM_HEADS, TOP_K))

    return _untranspose(scores_t), _untranspose(idx_t)

# --- scband reference (transcript-rebuilt; emitter-appended) ---
"""Pipeline reference for scband-product-key-router-34961033789979 (READ-ONLY COPY).

The authoritative reference and input builder live on the scoring server;
editing this copy changes nothing except your own understanding.
"""

import jax, jax.numpy as jnp
import numpy as np

D_MODEL = 768
D_QUERY = 128
NUM_HEADS = 4
NUM_EXPERTS = 64
TOP_K = 2
NUM_SUB_KEYS = 8  # sqrt(64)
EPS = 1e-5
N_TOKENS = 32768


def setup_inputs(seed: int = 0) -> dict:
    key = jax.random.key(seed)
    ks = jax.random.split(key, 5)
    x_flat = jax.random.normal(ks[0], (N_TOKENS, D_MODEL), dtype=jnp.float32)
    lim = 1.0 / np.sqrt(D_MODEL)
    Wq = jax.random.uniform(ks[1], (NUM_HEADS, D_QUERY, D_MODEL), dtype=jnp.float32, minval=-lim, maxval=lim)
    bq = jax.random.uniform(ks[2], (NUM_HEADS, D_QUERY), dtype=jnp.float32, minval=-lim, maxval=lim)
    gamma = jnp.ones((NUM_HEADS, D_QUERY), dtype=jnp.float32)
    beta = jnp.zeros((NUM_HEADS, D_QUERY), dtype=jnp.float32)
    K1 = jax.random.normal(ks[3], (NUM_SUB_KEYS, D_QUERY // 2), dtype=jnp.float32)
    K2 = jax.random.normal(ks[4], (NUM_SUB_KEYS, D_QUERY // 2), dtype=jnp.float32)
    return {"x_flat": x_flat, "Wq": Wq, "bq": bq, "gamma": gamma, "beta": beta, "K1": K1, "K2": K2}


def reference(x_flat, Wq, bq, gamma, beta, K1, K2):
    n = x_flat.shape[0]
    k_cand = TOP_K * 2
    all_scores = []
    all_indices = []
    for h in range(NUM_HEADS):
        # linear query projection
        q = x_flat @ Wq[h].T + bq[h]
        # BatchNorm1d (training-mode batch statistics, biased variance)
        mu = q.mean(axis=0)
        var = q.var(axis=0)
        q = (q - mu) / jnp.sqrt(var + EPS) * gamma[h] + beta[h]
        half = D_QUERY // 2
        q1 = q[:, :half]
        q2 = q[:, half:]
        scores1 = q1 @ K1.T
        scores2 = q2 @ K2.T
        top_s1, top_i1 = jax.lax.top_k(scores1, k_cand)
        top_s2, top_i2 = jax.lax.top_k(scores2, k_cand)
        combined = (top_s1[:, :, None] + top_s2[:, None, :]).reshape(n, -1)
        final_scores, top_ci = jax.lax.top_k(combined, TOP_K)
        final_scores = jax.nn.softmax(final_scores.astype(jnp.float32), axis=-1).astype(x_flat.dtype)
        idx1 = top_ci // k_cand
        idx2 = top_ci % k_cand
        fi1 = jnp.take_along_axis(top_i1, idx1, axis=1)
        fi2 = jnp.take_along_axis(top_i2, idx2, axis=1)
        expert_idx = fi1 * NUM_SUB_KEYS + fi2
        all_scores.append(final_scores)
        all_indices.append(expert_idx)
    return jnp.stack(all_scores, axis=1), jnp.stack(all_indices, axis=1)

if __name__ == "__main__":
    import jax
    _d = setup_inputs()
    print(jax.jit(kernel)(*tuple(_d.values())))

</pallas_src>

<mosaic_0001>
#map = affine_map<(d0, d1) -> (0, 0, 0)>
module attributes {stable_mosaic.version = 14 : i64} {
  func.func @_select_body(%arg0: i32, %arg1: i32, %arg2: memref<32x64x1024xf32, #tpu.memory_space<hbm>>, %arg3: memref<32x8x1024xf32, #tpu.memory_space<hbm>>, %arg4: memref<32x8x1024xi32, #tpu.memory_space<hbm>>, %arg5: memref<64x1024xf32, #tpu.memory_space<vmem>>, %arg6: memref<8x1024xf32, #tpu.memory_space<vmem>>, %arg7: memref<8x1024xi32, #tpu.memory_space<vmem>>) attributes {dimension_semantics = [#tpu.dimension_semantics<core_parallel>, #tpu.dimension_semantics<subcore_parallel>], iteration_bounds = array<i64: 2, 16>, scalar_prefetch = 0 : i64, scratch_operands = 3 : i64, tpu.core_type = #tpu.core_type<sc_vector_subcore>, window_params = [{transform_indices = #map}, {transform_indices = #map}, {transform_indices = #map}]} {
    %mul3A = arith.constant 2 : i32
    %mul3A_0 = arith.muli %arg1, %mul3A : i32
    %add3A = arith.addi %mul3A_0, %arg0 : i32
    "tpu.region"() ({
      %run_scoped3A = tpu.sem_alloc : memref<!tpu.dma_semaphore, #tpu.memory_space<semaphore_mem>>
      %dma_start3A = arith.constant 0 : i32
      %dma_start3A_6 = arith.constant 0 : i32
      %dma_start3A_7 = tpu.memref_slice %arg2[%add3A, %dma_start3A, %dma_start3A_6] : memref<32x64x1024xf32, #tpu.memory_space<hbm>> -> memref<1x64x1024xf32, #tpu.memory_space<hbm>>
      %dma_start3A_8 = tpu.memref_squeeze %dma_start3A_7 : memref<1x64x1024xf32, #tpu.memory_space<hbm>> -> memref<64x1024xf32, #tpu.memory_space<hbm>>
      %dma_start3A_9 = arith.constant 0 : i32
      %dma_start3A_10 = arith.constant 0 : i32
      %dma_start3A_11 = tpu.memref_slice %arg2[%add3A, %dma_start3A_9, %dma_start3A_10] : memref<32x64x1024xf32, #tpu.memory_space<hbm>> -> memref<1x64x1024xf32, #tpu.memory_space<hbm>>
      %dma_start3A_12 = tpu.memref_squeeze %dma_start3A_11 : memref<1x64x1024xf32, #tpu.memory_space<hbm>> -> memref<64x1024xf32, #tpu.memory_space<hbm>>
      tpu.enqueue_dma source(%dma_start3A_12 : memref<64x1024xf32, #tpu.memory_space<hbm>>) target(%arg5 : memref<64x1024xf32, #tpu.memory_space<vmem>>) target_semaphore(%run_scoped3A : memref<!tpu.dma_semaphore, #tpu.memory_space<semaphore_mem>>)
      %dma_wait3A = arith.constant 0 : i32
      %dma_wait3A_13 = arith.constant 0 : i32
      %dma_wait3A_14 = tpu.memref_slice %arg2[%add3A, %dma_wait3A, %dma_wait3A_13] : memref<32x64x1024xf32, #tpu.memory_space<hbm>> -> memref<1x64x1024xf32, #tpu.memory_space<hbm>>
      %dma_wait3A_15 = tpu.memref_squeeze %dma_wait3A_14 : memref<1x64x1024xf32, #tpu.memory_space<hbm>> -> memref<64x1024xf32, #tpu.memory_space<hbm>>
      %dma_wait3A_16 = arith.constant 0 : i32
      %dma_wait3A_17 = arith.constant 0 : i32
      %dma_wait3A_18 = tpu.memref_slice %arg2[%add3A, %dma_wait3A_16, %dma_wait3A_17] : memref<32x64x1024xf32, #tpu.memory_space<hbm>> -> memref<1x64x1024xf32, #tpu.memory_space<hbm>>
      %dma_wait3A_19 = tpu.memref_squeeze %dma_wait3A_18 : memref<1x64x1024xf32, #tpu.memory_space<hbm>> -> memref<64x1024xf32, #tpu.memory_space<hbm>>
      tpu.wait_dma2 semaphore(%run_scoped3A : memref<!tpu.dma_semaphore, #tpu.memory_space<semaphore_mem>>) src(%dma_wait3A_19 : memref<64x1024xf32, #tpu.memory_space<hbm>>) dst(%arg5 : memref<64x1024xf32, #tpu.memory_space<vmem>>)
      tpu.yield
    }) : () -> ()
    %scan3A = arith.constant 0 : i32
    %scan3A_1 = arith.constant 0 : i32
    %scan3A_2 = arith.constant 64 : i32
    %scan3A_3 = arith.addi %scan3A_1, %scan3A_2 : i32
    %scan3A_4 = arith.constant 1 : i32
    scf.for %scan3A_6 = %scan3A_1 to %scan3A_3 step %scan3A_4  : i32 {
      %mul3A_7 = arith.constant 16 : i32
      %mul3A_8 = arith.muli %scan3A_6, %mul3A_7 : i32
      %get3A = arith.constant 0 : i32
      %get3A_9 = arith.index_cast %get3A : i32 to index
      %get3A_10 = arith.index_cast %mul3A_8 : i32 to index
      %get3A_11 = tpu.vector_load %arg5[%get3A_9, %get3A_10] {strides = array<i32>} : memref<64x1024xf32, #tpu.memory_space<vmem>>, vector<1x16xf32>,
      %get3A_12 = vector.shape_cast %get3A_11 : vector<1x16xf32> to vector<16xf32>
      %get3A_13 = arith.constant 1 : i32
      %get3A_14 = arith.index_cast %get3A_13 : i32 to index
      %get3A_15 = arith.index_cast %mul3A_8 : i32 to index
      %get3A_16 = tpu.vector_load %arg5[%get3A_14, %get3A_15] {strides = array<i32>} : memref<64x1024xf32, #tpu.memory_space<vmem>>, vector<1x16xf32>,
      %get3A_17 = vector.shape_cast %get3A_16 : vector<1x16xf32> to vector<16xf32>
      %broadcast_in_dim3A = arith.constant 0 : i32
      %broadcast_in_dim3A_18 = vector.broadcast %broadcast_in_dim3A : i32 to vector<16xi32>
      %broadcast_in_dim3A_19 = arith.constant 1 : i32
      %broadcast_in_dim3A_20 = vector.broadcast %broadcast_in_dim3A_19 : i32 to vector<16xi32>
      %gt3A = arith.cmpf ogt, %get3A_17, %get3A_12 : vector<16xf32>
      %select_n3A = arith.select %gt3A, %get3A_17, %get3A_12 : vector<16xi1>, vector<16xf32>
      %select_n3A_21 = arith.select %gt3A, %broadcast_in_dim3A_20, %broadcast_in_dim3A_18 : vector<16xi1>, vector<16xi32>
      %select_n3A_22 = arith.select %gt3A, %get3A_12, %get3A_17 : vector<16xi1>, vector<16xf32>
      %select_n3A_23 = arith.select %gt3A, %broadcast_in_dim3A_18, %broadcast_in_dim3A_20 : vector<16xi1>, vector<16xi32>
      %get3A_24 = arith.constant 2 : i32
      %get3A_25 = arith.index_cast %get3A_24 : i32 to index
      %get3A_26 = arith.index_cast %mul3A_8 : i32 to index
      %get3A_27 = tpu.vector_load %arg5[%get3A_25, %get3A_26] {strides = array<i32>} : memref<64x1024xf32, #tpu.memory_space<vmem>>, vector<1x16xf32>,
      %get3A_28 = vector.shape_cast %get3A_27 : vector<1x16xf32> to vector<16xf32>
      %broadcast_in_dim3A_29 = arith.constant 2 : i32
      %broadcast_in_dim3A_30 = vector.broadcast %broadcast_in_dim3A_29 : i32 to vector<16xi32>
      %gt3A_31 = arith.cmpf ogt, %get3A_28, %select_n3A : vector<16xf32>
      %gt3A_32 = arith.cmpf ogt, %get3A_28, %select_n3A_22 : vector<16xf32>
      %select_n3A_33 = arith.select %gt3A_32, %get3A_28, %select_n3A_22 : vector<16xi1>, vector<16xf32>
      %select_n3A_34 = arith.select %gt3A_31, %select_n3A, %select_n3A_33 : vector<16xi1>, vector<16xf32>
      %select_n3A_35 = arith.select %gt3A_32, %broadcast_in_dim3A_30, %select_n3A_23 : vector<16xi1>, vector<16xi32>
      %select_n3A_36 = arith.select %gt3A_31, %select_n3A_21, %select_n3A_35 : vector<16xi1>, vector<16xi32>
      %select_n3A_37 = arith.select %gt3A_31, %get3A_28, %select_n3A : vector<16xi1>, vector<16xf32>
      %select_n3A_38 = arith.select %gt3A_31, %broadcast_in_dim3A_30, %select_n3A_21 : vector<16xi1>, vector<16xi32>
      %get3A_39 = arith.constant 3 : i32
      %get3A_40 = arith.index_cast %get3A_39 : i32 to index
      %get3A_41 = arith.index_cast %mul3A_8 : i32 to index
      %get3A_42 = tpu.vector_load %arg5[%get3A_40, %get3A_41] {strides = array<i32>} : memref<64x1024xf32, #tpu.memory_space<vmem>>, vector<1x16xf32>,
      %get3A_43 = vector.shape_cast %get3A_42 : vector<1x16xf32> to vector<16xf32>
      %broadcast_in_dim3A_44 = arith.constant 3 : i32
      %broadcast_in_dim3A_45 = vector.broadcast %broadcast_in_dim3A_44 : i32 to vector<16xi32>
      %gt3A_46 = arith.cmpf ogt, %get3A_43, %select_n3A_37 : vector<16xf32>
      %gt3A_47 = arith.cmpf ogt, %get3A_43, %select_n3A_34 : vector<16xf32>
      %select_n3A_48 = arith.select %gt3A_47, %get3A_43, %select_n3A_34 : vector<16xi1>, vector<16xf32>
      %select_n3A_49 = arith.select %gt3A_46, %select_n3A_37, %select_n3A_48 : vector<16xi1>, vector<16xf32>
      %select_n3A_50 = arith.select %gt3A_47, %broadcast_in_dim3A_45, %select_n3A_36 : vector<16xi1>, vector<16xi32>
      %select_n3A_51 = arith.select %gt3A_46, %select_n3A_38, %select_n3A_50 : vector<16xi1>, vector<16xi32>
      %select_n3A_52 = arith.select %gt3A_46, %get3A_43, %select_n3A_37 : vector<16xi1>, vector<16xf32>
      %select_n3A_53 = arith.select %gt3A_46, %broadcast_in_dim3A_45, %select_n3A_38 : vector<16xi1>, vector<16xi32>
      %get3A_54 = arith.constant 4 : i32
      %get3A_55 = arith.index_cast %get3A_54 : i32 to index
      %get3A_56 = arith.index_cast %mul3A_8 : i32 to index
      %get3A_57 = tpu.vector_load %arg5[%get3A_55, %get3A_56] {strides = array<i32>} : memref<64x1024xf32, #tpu.memory_space<vmem>>, vector<1x16xf32>,
      %get3A_58 = vector.shape_cast %get3A_57 : vector<1x16xf32> to vector<16xf32>
      %broadcast_in_dim3A_59 = arith.constant 4 : i32
      %broadcast_in_dim3A_60 = vector.broadcast %broadcast_in_dim3A_59 : i32 to vector<16xi32>
      %gt3A_61 = arith.cmpf ogt, %get3A_58, %select_n3A_52 : vector<16xf32>
      %gt3A_62 = arith.cmpf ogt, %get3A_58, %select_n3A_49 : vector<16xf32>
      %select_n3A_63 = arith.select %gt3A_62, %get3A_58, %select_n3A_49 : vector<16xi1>, vector<16xf32>
      %select_n3A_64 = arith.select %gt3A_61, %select_n3A_52, %select_n3A_63 : vector<16xi1>, vector<16xf32>
      %select_n3A_65 = arith.select %gt3A_62, %broadcast_in_dim3A_60, %select_n3A_51 : vector<16xi1>, vector<16xi32>
      %select_n3A_66 = arith.select %gt3A_61, %select_n3A_53, %select_n3A_65 : vector<16xi1>, vector<16xi32>
      %select_n3A_67 = arith.select %gt3A_61, %get3A_58, %select_n3A_52 : vector<16xi1>, vector<16xf32>
      %select_n3A_68 = arith.select %gt3A_61, %broadcast_in_dim3A_60, %select_n3A_53 : vector<16xi1>, vector<16xi32>
      %get3A_69 = arith.constant 5 : i32
      %get3A_70 = arith.index_cast %get3A_69 : i32 to index
      %get3A_71 = arith.index_cast %mul3A_8 : i32 to index
      %get3A_72 = tpu.vector_load %arg5[%get3A_70, %get3A_71] {strides = array<i32>} : memref<64x1024xf32, #tpu.memory_space<vmem>>, vector<1x16xf32>,
      %get3A_73 = vector.shape_cast %get3A_72 : vector<1x16xf32> to vector<16xf32>
      %broadcast_in_dim3A_74 = arith.constant 5 : i32
      %broadcast_in_dim3A_75 = vector.broadcast %broadcast_in_dim3A_74 : i32 to vector<16xi32>
      %gt3A_76 = arith.cmpf ogt, %get3A_73, %select_n3A_67 : vector<16xf32>
      %gt3A_77 = arith.cmpf ogt, %get3A_73, %select_n3A_64 : vector<16xf32>
      %select_n3A_78 = arith.select %gt3A_77, %get3A_73, %select_n3A_64 : vector<16xi1>, vector<16xf32>
      %select_n3A_79 = arith.select %gt3A_76, %select_n3A_67, %select_n3A_78 : vector<16xi1>, vector<16xf32>
      %select_n3A_80 = arith.select %gt3A_77, %broadcast_in_dim3A_75, %select_n3A_66 : vector<16xi1>, vector<16xi32>
      %select_n3A_81 = arith.select %gt3A_76, %select_n3A_68, %select_n3A_80 : vector<16xi1>, vector<16xi32>
      %select_n3A_82 = arith.select %gt3A_76, %get3A_73, %select_n3A_67 : vector<16xi1>, vector<16xf32>
      %select_n3A_83 = arith.select %gt3A_76, %broadcast_in_dim3A_75, %select_n3A_68 : vector<16xi1>, vector<16xi32>
      %get3A_84 = arith.constant 6 : i32
      %get3A_85 = arith.index_cast %get3A_84 : i32 to index
      %get3A_86 = arith.index_cast %mul3A_8 : i32 to index
      %get3A_87 = tpu.vector_load %arg5[%get3A_85, %get3A_86] {strides = array<i32>} : memref<64x1024xf32, #tpu.memory_space<vmem>>, vector<1x16xf32>,
      %get3A_88 = vector.shape_cast %get3A_87 : vector<1x16xf32> to vector<16xf32>
      %broadcast_in_dim3A_89 = arith.constant 6 : i32
      %broadcast_in_dim3A_90 = vector.broadcast %broadcast_in_dim3A_89 : i32 to vector<16xi32>
      %gt3A_91 = arith.cmpf ogt, %get3A_88, %select_n3A_82 : vector<16xf32>
      %gt3A_92 = arith.cmpf ogt, %get3A_88, %select_n3A_79 : vector<16xf32>
      %select_n3A_93 = arith.select %gt3A_92, %get3A_88, %select_n3A_79 : vector<16xi1>, vector<16xf32>
      %select_n3A_94 = arith.select %gt3A_91, %select_n3A_82, %select_n3A_93 : vector<16xi1>, vector<16xf32>
      %select_n3A_95 = arith.select %gt3A_92, %broadcast_in_dim3A_90, %select_n3A_81 : vector<16xi1>, vector<16xi32>
      %select_n3A_96 = arith.select %gt3A_91, %select_n3A_83, %select_n3A_95 : vector<16xi1>, vector<16xi32>
      %select_n3A_97 = arith.select %gt3A_91, %get3A_88, %select_n3A_82 : vector<16xi1>, vector<16xf32>
      %select_n3A_98 = arith.select %gt3A_91, %broadcast_in_dim3A_90, %select_n3A_83 : vector<16xi1>, vector<16xi32>
      %get3A_99 = arith.constant 7 : i32
      %get3A_100 = arith.index_cast %get3A_99 : i32 to index
      %get3A_101 = arith.index_cast %mul3A_8 : i32 to index
      %get3A_102 = tpu.vector_load %arg5[%get3A_100, %get3A_101] {strides = array<i32>} : memref<64x1024xf32, #tpu.memory_space<vmem>>, vector<1x16xf32>,
      %get3A_103 = vector.shape_cast %get3A_102 : vector<1x16xf32> to vector<16xf32>
      %broadcast_in_dim3A_104 = arith.constant 7 : i32
      %broadcast_in_dim3A_105 = vector.broadcast %broadcast_in_dim3A_104 : i32 to vector<16xi32>
      %gt3A_106 = arith.cmpf ogt, %get3A_103, %select_n3A_97 : vector<16xf32>
      %gt3A_107 = arith.cmpf ogt, %get3A_103, %select_n3A_94 : vector<16xf32>
      %select_n3A_108 = arith.select %gt3A_107, %get3A_103, %select_n3A_94 : vector<16xi1>, vector<16xf32>
      %select_n3A_109 = arith.select %gt3A_106, %select_n3A_97, %select_n3A_108 : vector<16xi1>, vector<16xf32>
      %select_n3A_110 = arith.select %gt3A_107, %broadcast_in_dim3A_105, %select_n3A_96 : vector<16xi1>, vector<16xi32>
      %select_n3A_111 = arith.select %gt3A_106, %select_n3A_98, %select_n3A_110 : vector<16xi1>, vector<16xi32>
      %select_n3A_112 = arith.select %gt3A_106, %get3A_103, %select_n3A_97 : vector<16xi1>, vector<16xf32>
      %select_n3A_113 = arith.select %gt3A_106, %broadcast_in_dim3A_105, %select_n3A_98 : vector<16xi1>, vector<16xi32>
      %get3A_114 = arith.constant 8 : i32
      %get3A_115 = arith.index_cast %get3A_114 : i32 to index
      %get3A_116 = arith.index_cast %mul3A_8 : i32 to index
      %get3A_117 = tpu.vector_load %arg5[%get3A_115, %get3A_116] {strides = array<i32>} : memref<64x1024xf32, #tpu.memory_space<vmem>>, vector<1x16xf32>,
      %get3A_118 = vector.shape_cast %get3A_117 : vector<1x16xf32> to vector<16xf32>
      %get3A_119 = arith.constant 9 : i32
      %get3A_120 = arith.index_cast %get3A_119 : i32 to index
      %get3A_121 = arith.index_cast %mul3A_8 : i32 to index
      %get3A_122 = tpu.vector_load %arg5[%get3A_120, %get3A_121] {strides = array<i32>} : memref<64x1024xf32, #tpu.memory_space<vmem>>, vector<1x16xf32>,
      %get3A_123 = vector.shape_cast %get3A_122 : vector<1x16xf32> to vector<16xf32>
      %broadcast_in_dim3A_124 = arith.constant 0 : i32
      %broadcast_in_dim3A_125 = vector.broadcast %broadcast_in_dim3A_124 : i32 to vector<16xi32>
      %broadcast_in_dim3A_126 = arith.constant 1 : i32
      %broadcast_in_dim3A_127 = vector.broadcast %broadcast_in_dim3A_126 : i32 to vector<16xi32>
      %gt3A_128 = arith.cmpf ogt, %get3A_123, %get3A_118 : vector<16xf32>
      %select_n3A_129 = arith.select %gt3A_128, %get3A_123, %get3A_118 : vector<16xi1>, vector<16xf32>
      %select_n3A_130 = arith.select %gt3A_128, %broadcast_in_dim3A_127, %broadcast_in_dim3A_125 : vector<16xi1>, vector<16xi32>
      %select_n3A_131 = arith.select %gt3A_128, %get3A_118, %get3A_123 : vector<16xi1>, vector<16xf32>
      %select_n3A_132 = arith.select %gt3A_128, %broadcast_in_dim3A_125, %broadcast_in_dim3A_127 : vector<16xi1>, vector<16xi32>
      %get3A_133 = arith.constant 10 : i32
      %get3A_134 = arith.index_cast %get3A_133 : i32 to index
      %get3A_135 = arith.index_cast %mul3A_8 : i32 to index
      %get3A_136 = tpu.vector_load %arg5[%get3A_134, %get3A_135] {strides = array<i32>} : memref<64x1024xf32, #tpu.memory_space<vmem>>, vector<1x16xf32>,
      %get3A_137 = vector.shape_cast %get3A_136 : vector<1x16xf32> to vector<16xf32>
      %broadcast_in_dim3A_138 = arith.constant 2 : i32
      %broadcast_in_dim3A_139 = vector.broadcast %broadcast_in_dim3A_138 : i32 to vector<16xi32>
      %gt3A_140 = arith.cmpf ogt, %get3A_137, %select_n3A_129 : vector<16xf32>
      %gt3A_141 = arith.cmpf ogt, %get3A_137, %select_n3A_131 : vector<16xf32>
      %select_n3A_142 = arith.select %gt3A_141, %get3A_137, %select_n3A_131 : vector<16xi1>, vector<16xf32>
      %select_n3A_143 = arith.select %gt3A_140, %select_n3A_129, %select_n3A_142 : vector<16xi1>, vector<16xf32>
      %select_n3A_144 = arith.select %gt3A_141, %broadcast_in_dim3A_139, %select_n3A_132 : vector<16xi1>, vector<16xi32>
      %select_n3A_145 = arith.select %gt3A_140, %select_n3A_130, %select_n3A_144 : vector<16xi1>, vector<16xi32>
      %select_n3A_146 = arith.select %gt3A_140, %get3A_137, %select_n3A_129 : vector<16xi1>, vector<16xf32>
      %select_n3A_147 = arith.select %gt3A_140, %broadcast_in_dim3A_139, %select_n3A_130 : vector<16xi1>, vector<16xi32>
      %get3A_148 = arith.constant 11 : i32
      %get3A_149 = arith.index_cast %get3A_148 : i32 to index
      %get3A_150 = arith.index_cast %mul3A_8 : i32 to index
      %get3A_151 = tpu.vector_load %arg5[%get3A_149, %get3A_150] {strides = array<i32>} : memref<64x1024xf32, #tpu.memory_space<vmem>>, vector<1x16xf32>,
      %get3A_152 = vector.shape_cast %get3A_151 : vector<1x16xf32> to vector<16xf32>
      %broadcast_in_dim3A_153 = arith.constant 3 : i32
      %broadcast_in_dim3A_154 = vector.broadcast %broadcast_in_dim3A_153 : i32 to vector<16xi32>
      %gt3A_155 = arith.cmpf ogt, %get3A_152, %select_n3A_146 : vector<16xf32>
      %gt3A_156 = arith.cmpf ogt, %get3A_152, %select_n3A_143 : vector<16xf32>
      %select_n3A_157 = arith.select %gt3A_156, %get3A_152, %select_n3A_143 : vector<16xi1>, vector<16xf32>
      %select_n3A_158 = arith.select %gt3A_155, %select_n3A_146, %select_n3A_157 : vector<16xi1>, vector<16xf32>
      %select_n3A_159 = arith.select %gt3A_156, %broadcast_in_dim3A_154, %select_n3A_145 : vector<16xi1>, vector<16xi32>
      %select_n3A_160 = arith.select %gt3A_155, %select_n3A_147, %select_n3A_159 : vector<16xi1>, vector<16xi32>
      %select_n3A_161 = arith.select %gt3A_155, %get3A_152, %select_n3A_146 : vector<16xi1>, vector<16xf32>
      %select_n3A_162 = arith.select %gt3A_155, %broadcast_in_dim3A_154, %select_n3A_147 : vector<16xi1>, vector<16xi32>
      %get3A_163 = arith.constant 12 : i32
      %get3A_164 = arith.index_cast %get3A_163 : i32 to index
      %get3A_165 = arith.index_cast %mul3A_8 : i32 to index
      %get3A_166 = tpu.vector_load %arg5[%get3A_164, %get3A_165] {strides = array<i32>} : memref<64x1024xf32, #tpu.memory_space<vmem>>, vector<1x16xf32>,
      %get3A_167 = vector.shape_cast %get3A_166 : vector<1x16xf32> to vector<16xf32>
      %broadcast_in_dim3A_168 = arith.constant 4 : i32
      %broadcast_in_dim3A_169 = vector.broadcast %broadcast_in_dim3A_168 : i32 to vector<16xi32>
      %gt3A_170 = arith.cmpf ogt, %get3A_167, %select_n3A_161 : vector<16xf32>
      %gt3A_171 = arith.cmpf ogt, %get3A_167, %select_n3A_158 : vector<16xf32>
      %select_n3A_172 = arith.select %gt3A_171, %get3A_167, %select_n3A_158 : vector<16xi1>, vector<16xf32>
      %select_n3A_173 = arith.select %gt3A_170, %select_n3A_161, %select_n3A_172 : vector<16xi1>, vector<16xf32>
      %select_n3A_174 = arith.select %gt3A_171, %broadcast_in_dim3A_169, %select_n3A_160 : vector<16xi1>, vector<16xi32>
      %select_n3A_175 = arith.select %gt3A_170, %select_n3A_162, %select_n3A_174 : vector<16xi1>, vector<16xi32>
      %select_n3A_176 = arith.select %gt3A_170, %get3A_167, %select_n3A_161 : vector<16xi1>, vector<16xf32>
      %select_n3A_177 = arith.select %gt3A_170, %broadcast_in_dim3A_169, %select_n3A_162 : vector<16xi1>, vector<16xi32>
      %get3A_178 = arith.constant 13 : i32
      %get3A_179 = arith.index_cast %get3A_178 : i32 to index
      %get3A_180 = arith.index_cast %mul3A_8 : i32 to index
      %get3A_181 = tpu.vector_load %arg5[%get3A_179, %get3A_180] {strides = array<i32>} : memref<64x1024xf32, #tpu.memory_space<vmem>>, vector<1x16xf32>,
      %get3A_182 = vector.shape_cast %get3A_181 : vector<1x16xf32> to vector<16xf32>
      %broadcast_in_dim3A_183 = arith.constant 5 : i32
      %broadcast_in_dim3A_184 = vector.broadcast %broadcast_in_dim3A_183 : i32 to vector<16xi32>
      %gt3A_185 = arith.cmpf ogt, %get3A_182, %select_n3A_176 : vector<16xf32>
      %gt3A_186 = arith.cmpf ogt, %get3A_182, %select_n3A_173 : vector<16xf32>
      %select_n3A_187 = arith.select %gt3A_186, %get3A_182, %select_n3A_173 : vector<16xi1>, vector<16xf32>
      %select_n3A_188 = arith.select %gt3A_185, %select_n3A_176, %select_n3A_187 : vector<16xi1>, vector<16xf32>
      %select_n3A_189 = arith.select %gt3A_186, %broadcast_in_dim3A_184, %select_n3A_175 : vector<16xi1>, vector<16xi32>
      %select_n3A_190 = arith.select %gt3A_185, %select_n3A_177, %select_n3A_189 : vector<16xi1>, vector<16xi32>
      %select_n3A_191 = arith.select %gt3A_185, %get3A_182, %select_n3A_176 : vector<16xi1>, vector<16xf32>
      %select_n3A_192 = arith.select %gt3A_185, %broadcast_in_dim3A_184, %select_n3A_177 : vector<16xi1>, vector<16xi32>
      %get3A_193 = arith.constant 14 : i32
      %get3A_194 = arith.index_cast %get3A_193 : i32 to index
      %get3A_195 = arith.index_cast %mul3A_8 : i32 to index
      %get3A_196 = tpu.vector_load %arg5[%get3A_194, %get3A_195] {strides = array<i32>} : memref<64x1024xf32, #tpu.memory_space<vmem>>, vector<1x16xf32>,
      %get3A_197 = vector.shape_cast %get3A_196 : vector<1x16xf32> to vector<16xf32>
      %broadcast_in_dim3A_198 = arith.constant 6 : i32
      %broadcast_in_dim3A_199 = vector.broadcast %broadcast_in_dim3A_198 : i32 to vector<16xi32>
      %gt3A_200 = arith.cmpf ogt, %get3A_197, %select_n3A_191 : vector<16xf32>
      %gt3A_201 = arith.cmpf ogt, %get3A_197, %select_n3A_188 : vector<16xf32>
      %select_n3A_202 = arith.select %gt3A_201, %get3A_197, %select_n3A_188 : vector<16xi1>, vector<16xf32>
      %select_n3A_203 = arith.select %gt3A_200, %select_n3A_191, %select_n3A_202 : vector<16xi1>, vector<16xf32>
      %select_n3A_204 = arith.select %gt3A_201, %broadcast_in_dim3A_199, %select_n3A_190 : vector<16xi1>, vector<16xi32>
      %select_n3A_205 = arith.select %gt3A_200, %select_n3A_192, %select_n3A_204 : vector<16xi1>, vector<16xi32>
      %select_n3A_206 = arith.select %gt3A_200, %get3A_197, %select_n3A_191 : vector<16xi1>, vector<16xf32>
      %select_n3A_207 = arith.select %gt3A_200, %broadcast_in_dim3A_199, %select_n3A_192 : vector<16xi1>, vector<16xi32>
      %get3A_208 = arith.constant 15 : i32
      %get3A_209 = arith.index_cast %get3A_208 : i32 to index
      %get3A_210 = arith.index_cast %mul3A_8 : i32 to index
      %get3A_211 = tpu.vector_load %arg5[%get3A_209, %get3A_210] {strides = array<i32>} : memref<64x1024xf32, #tpu.memory_space<vmem>>, vector<1x16xf32>,
      %get3A_212 = vector.shape_cast %get3A_211 : vector<1x16xf32> to vector<16xf32>
      %broadcast_in_dim3A_213 = arith.constant 7 : i32
      %broadcast_in_dim3A_214 = vector.broadcast %broadcast_in_dim3A_213 : i32 to vector<16xi32>
      %gt3A_215 = arith.cmpf ogt, %get3A_212, %select_n3A_206 : vector<16xf32>
      %gt3A_216 = arith.cmpf ogt, %get3A_212, %select_n3A_203 : vector<16xf32>
      %select_n3A_217 = arith.select %gt3A_216, %get3A_212, %select_n3A_203 : vector<16xi1>, vector<16xf32>
      %select_n3A_218 = arith.select %gt3A_215, %select_n3A_206, %select_n3A_217 : vector<16xi1>, vector<16xf32>
      %select_n3A_219 = arith.select %gt3A_216, %broadcast_in_dim3A_214, %select_n3A_205 : vector<16xi1>, vector<16xi32>
      %select_n3A_220 = arith.select %gt3A_215, %select_n3A_207, %select_n3A_219 : vector<16xi1>, vector<16xi32>
      %select_n3A_221 = arith.select %gt3A_215, %get3A_212, %select_n3A_206 : vector<16xi1>, vector<16xf32>
      %select_n3A_222 = arith.select %gt3A_215, %broadcast_in_dim3A_214, %select_n3A_207 : vector<16xi1>, vector<16xi32>
      %add3A_223 = arith.addf %select_n3A_112, %select_n3A_221 : vector<16xf32>
      %add3A_224 = arith.addf %select_n3A_112, %select_n3A_218 : vector<16xf32>
      %add3A_225 = arith.addf %select_n3A_109, %select_n3A_221 : vector<16xf32>
      %ge3A = arith.cmpf oge, %add3A_224, %add3A_225 : vector<16xf32>
      %select_n3A_226 = arith.select %ge3A, %add3A_224, %add3A_225 : vector<16xi1>, vector<16xf32>
      %select_n3A_227 = arith.select %ge3A, %select_n3A_113, %select_n3A_111 : vector<16xi1>, vector<16xi32>
      %select_n3A_228 = arith.select %ge3A, %select_n3A_220, %select_n3A_222 : vector<16xi1>, vector<16xi32>
      %mul3A_229 = arith.constant 8 : i32
      %mul3A_230 = vector.broadcast %mul3A_229 : i32 to vector<16xi32>
      %mul3A_231 = arith.muli %select_n3A_113, %mul3A_230 : vector<16xi32>
      %add3A_232 = arith.addi %mul3A_231, %select_n3A_222 : vector<16xi32>
      %mul3A_233 = arith.constant 8 : i32
      %mul3A_234 = vector.broadcast %mul3A_233 : i32 to vector<16xi32>
      %mul3A_235 = arith.muli %select_n3A_227, %mul3A_234 : vector<16xi32>
      %add3A_236 = arith.addi %mul3A_235, %select_n3A_228 : vector<16xi32>
      %sub3A = arith.subf %select_n3A_226, %add3A_223 : vector<16xf32>
      %exp3A = math.exp %sub3A : vector<16xf32>
      %add3A_237 = arith.constant 1.000000e+00 : f32
      %add3A_238 = vector.broadcast %add3A_237 : f32 to vector<16xf32>
      %add3A_239 = arith.addf %exp3A, %add3A_238 : vector<16xf32>
      %div3A = arith.constant 1.000000e+00 : f32
      %div3A_240 = vector.broadcast %div3A : f32 to vector<16xf32>
      %div3A_241 = arith.divf %div3A_240, %add3A_239 : vector<16xf32>
      %div3A_242 = arith.divf %exp3A, %add3A_239 : vector<16xf32>
      %swap3A = arith.constant 0 : i32
      %swap3A_243 = arith.index_cast %swap3A : i32 to index
      %swap3A_244 = arith.index_cast %mul3A_8 : i32 to index
      %swap3A_245 = tpu.vector_load %arg6[%swap3A_243, %swap3A_244] {strides = array<i32>} : memref<8x1024xf32, #tpu.memory_space<vmem>>, vector<1x16xf32>,
      %swap3A_246 = vector.shape_cast %swap3A_245 : vector<1x16xf32> to vector<16xf32>
      %swap3A_247 = vector.shape_cast %div3A_241 : vector<16xf32> to vector<1x16xf32>
      tpu.vector_store %arg6[%swap3A_243, %swap3A_244], %swap3A_247 {strides = array<i32>} : memref<8x1024xf32, #tpu.memory_space<vmem>>, vector<1x16xf32>,
      %swap3A_248 = arith.constant 1 : i32
      %swap3A_249 = arith.index_cast %swap3A_248 : i32 to index
      %swap3A_250 = arith.index_cast %mul3A_8 : i32 to index
      %swap3A_251 = tpu.vector_load %arg6[%swap3A_249, %swap3A_250] {strides = array<i32>} : memref<8x1024xf32, #tpu.memory_space<vmem>>, vector<1x16xf32>,
      %swap3A_252 = vector.shape_cast %swap3A_251 : vector<1x16xf32> to vector<16xf32>
      %swap3A_253 = vector.shape_cast %div3A_242 : vector<16xf32> to vector<1x16xf32>
      tpu.vector_store %arg6[%swap3A_249, %swap3A_250], %swap3A_253 {strides = array<i32>} : memref<8x1024xf32, #tpu.memory_space<vmem>>, vector<1x16xf32>,
      %swap3A_254 = arith.constant 0 : i32
      %swap3A_255 = arith.index_cast %swap3A_254 : i32 to index
      %swap3A_256 = arith.index_cast %mul3A_8 : i32 to index
      %swap3A_257 = tpu.vector_load %arg7[%swap3A_255, %swap3A_256] {strides = array<i32>} : memref<8x1024xi32, #tpu.memory_space<vmem>>, vector<1x16xi32>,
      %swap3A_258 = vector.shape_cast %swap3A_257 : vector<1x16xi32> to vector<16xi32>
      %swap3A_259 = vector.shape_cast %add3A_232 : vector<16xi32> to vector<1x16xi32>
      tpu.vector_store %arg7[%swap3A_255, %swap3A_256], %swap3A_259 {strides = array<i32>} : memref<8x1024xi32, #tpu.memory_space<vmem>>, vector<1x16xi32>,
      %swap3A_260 = arith.constant 1 : i32
      %swap3A_261 = arith.index_cast %swap3A_260 : i32 to index
      %swap3A_262 = arith.index_cast %mul3A_8 : i32 to index
      %swap3A_263 = tpu.vector_load %arg7[%swap3A_261, %swap3A_262] {strides = array<i32>} : memref<8x1024xi32, #tpu.memory_space<vmem>>, vector<1x16xi32>,
      %swap3A_264 = vector.shape_cast %swap3A_263 : vector<1x16xi32> to vector<16xi32>
      %swap3A_265 = vector.shape_cast %add3A_236 : vector<16xi32> to vector<1x16xi32>
      tpu.vector_store %arg7[%swap3A_261, %swap3A_262], %swap3A_265 {strides = array<i32>} : memref<8x1024xi32, #tpu.memory_space<vmem>>, vector<1x16xi32>,
      %get3A_266 = arith.constant 16 : i32
      %get3A_267 = arith.index_cast %get3A_266 : i32 to index
      %get3A_268 = arith.index_cast %mul3A_8 : i32 to index
      %get3A_269 = tpu.vector_load %arg5[%get3A_267, %get3A_268] {strides = array<i32>} : memref<64x1024xf32, #tpu.memory_space<vmem>>, vector<1x16xf32>,
      %get3A_270 = vector.shape_cast %get3A_269 : vector<1x16xf32> to vector<16xf32>
      %get3A_271 = arith.constant 17 : i32
      %get3A_272 = arith.index_cast %get3A_271 : i32 to index
      %get3A_273 = arith.index_cast %mul3A_8 : i32 to index
      %get3A_274 = tpu.vector_load %arg5[%get3A_272, %get3A_273] {strides = array<i32>} : memref<64x1024xf32, #tpu.memory_space<vmem>>, vector<1x16xf32>,
      %get3A_275 = vector.shape_cast %get3A_274 : vector<1x16xf32> to vector<16xf32>
      %broadcast_in_dim3A_276 = arith.constant 0 : i32
      %broadcast_in_dim3A_277 = vector.broadcast %broadcast_in_dim3A_276 : i32 to vector<16xi32>
      %broadcast_in_dim3A_278 = arith.constant 1 : i32
      %broadcast_in_dim3A_279 = vector.broadcast %broadcast_in_dim3A_278 : i32 to vector<16xi32>
      %gt3A_280 = arith.cmpf ogt, %get3A_275, %get3A_270 : vector<16xf32>
      %select_n3A_281 = arith.select %gt3A_280, %get3A_275, %get3A_270 : vector<16xi1>, vector<16xf32>
      %select_n3A_282 = arith.select %gt3A_280, %broadcast_in_dim3A_279, %broadcast_in_dim3A_277 : vector<16xi1>, vector<16xi32>
      %select_n3A_283 = arith.select %gt3A_280, %get3A_270, %get3A_275 : vector<16xi1>, vector<16xf32>
      %select_n3A_284 = arith.select %gt3A_280, %broadcast_in_dim3A_277, %broadcast_in_dim3A_279 : vector<16xi1>, vector<16xi32>
      %get3A_285 = arith.constant 18 : i32
      %get3A_286 = arith.index_cast %get3A_285 : i32 to index
      %get3A_287 = arith.index_cast %mul3A_8 : i32 to index
      %get3A_288 = tpu.vector_load %arg5[%get3A_286, %get3A_287] {strides = array<i32>} : memref<64x1024xf32, #tpu.memory_space<vmem>>, vector<1x16xf32>,
      %get3A_289 = vector.shape_cast %get3A_288 : vector<1x16xf32> to vector<16xf32>
      %broadcast_in_dim3A_290 = arith.constant 2 : i32
      %broadcast_in_dim3A_291 = vector.broadcast %broadcast_in_dim3A_290 : i32 to vector<16xi32>
      %gt3A_292 = arith.cmpf ogt, %get3A_289, %select_n3A_281 : vector<16xf32>
      %gt3A_293 = arith.cmpf ogt, %get3A_289, %select_n3A_283 : vector<16xf32>
      %select_n3A_294 = arith.select %gt3A_293, %get3A_289, %select_n3A_283 : vector<16xi1>, vector<16xf32>
      %select_n3A_295 = arith.select %gt3A_292, %select_n3A_281, %select_n3A_294 : vector<16xi1>, vector<16xf32>
      %select_n3A_296 = arith.select %gt3A_293, %broadcast_in_dim3A_291, %select_n3A_284 : vector<16xi1>, vector<16xi32>
      %select_n3A_297 = arith.select %gt3A_292, %select_n3A_282, %select_n3A_296 : vector<16xi1>, vector<16xi32>
      %select_n3A_298 = arith.select %gt3A_292, %get3A_289, %select_n3A_281 : vector<16xi1>, vector<16xf32>
      %select_n3A_299 = arith.select %gt3A_292, %broadcast_in_dim3A_291, %select_n3A_282 : vector<16xi1>, vector<16xi32>
      %get3A_300 = arith.constant 19 : i32
      %get3A_301 = arith.index_cast %get3A_300 : i32 to index
      %get3A_302 = arith.index_cast %mul3A_8 : i32 to index
      %get3A_303 = tpu.vector_load %arg5[%get3A_301, %get3A_302] {strides = array<i32>} : memref<64x1024xf32, #tpu.memory_space<vmem>>, vector<1x16xf32>,
      %get3A_304 = vector.shape_cast %get3A_303 : vector<1x16xf32> to vector<16xf32>
      %broadcast_in_dim3A_305 = arith.constant 3 : i32
      %broadcast_in_dim3A_306 = vector.broadcast %broadcast_in_dim3A_305 : i32 to vector<16xi32>
      %gt3A_307 = arith.cmpf ogt, %get3A_304, %select_n3A_298 : vector<16xf32>
      %gt3A_308 = arith.cmpf ogt, %get3A_304, %select_n3A_295 : vector<16xf32>
      %select_n3A_309 = arith.select %gt3A_308, %get3A_304, %select_n3A_295 : vector<16xi1>, vector<16xf32>
      %select_n3A_310 = arith.select %gt3A_307, %select_n3A_298, %select_n3A_309 : vector<16xi1>, vector<16xf32>
      %select_n3A_311 = arith.select %gt3A_308, %broadcast_in_dim3A_306, %select_n3A_297 : vector<16xi1>, vector<16xi32>
      %select_n3A_312 = arith.select %gt3A_307, %select_n3A_299, %select_n3A_311 : vector<16xi1>, vector<16xi32>
      %select_n3A_313 = arith.select %gt3A_307, %get3A_304, %select_n3A_298 : vector<16xi1>, vector<16xf32>
      %select_n3A_314 = arith.select %gt3A_307, %broadcast_in_dim3A_306, %select_n3A_299 : vector<16xi1>, vector<16xi32>
      %get3A_315 = arith.constant 20 : i32
      %get3A_316 = arith.index_cast %get3A_315 : i32 to index
      %get3A_317 = arith.index_cast %mul3A_8 : i32 to index
      %get3A_318 = tpu.vector_load %arg5[%get3A_316, %get3A_317] {strides = array<i32>} : memref<64x1024xf32, #tpu.memory_space<vmem>>, vector<1x16xf32>,
      %get3A_319 = vector.shape_cast %get3A_318 : vector<1x16xf32> to vector<16xf32>
      %broadcast_in_dim3A_320 = arith.constant 4 : i32
      %broadcast_in_dim3A_321 = vector.broadcast %broadcast_in_dim3A_320 : i32 to vector<16xi32>
      %gt3A_322 = arith.cmpf ogt, %get3A_319, %select_n3A_313 : vector<16xf32>
      %gt3A_323 = arith.cmpf ogt, %get3A_319, %select_n3A_310 : vector<16xf32>
      %select_n3A_324 = arith.select %gt3A_323, %get3A_319, %select_n3A_310 : vector<16xi1>, vector<16xf32>
      %select_n3A_325 = arith.select %gt3A_322, %select_n3A_313, %select_n3A_324 : vector<16xi1>, vector<16xf32>
      %select_n3A_326 = arith.select %gt3A_323, %broadcast_in_dim3A_321, %select_n3A_312 : vector<16xi1>, vector<16xi32>
      %select_n3A_327 = arith.select %gt3A_322, %select_n3A_314, %select_n3A_326 : vector<16xi1>, vector<16xi32>
      %select_n3A_328 = arith.select %gt3A_322, %get3A_319, %select_n3A_313 : vector<16xi1>, vector<16xf32>
      %select_n3A_329 = arith.select %gt3A_322, %broadcast_in_dim3A_321, %select_n3A_314 : vector<16xi1>, vector<16xi32>
      %get3A_330 = arith.constant 21 : i32
      %get3A_331 = arith.index_cast %get3A_330 : i32 to index
      %get3A_332 = arith.index_cast %mul3A_8 : i32 to index
      %get3A_333 = tpu.vector_load %arg5[%get3A_331, %get3A_332] {strides = array<i32>} : memref<64x1024xf32, #tpu.memory_space<vmem>>, vector<1x16xf32>,
      %get3A_334 = vector.shape_cast %get3A_333 : vector<1x16xf32> to vector<16xf32>
      %broadcast_in_dim3A_335 = arith.constant 5 : i32
      %broadcast_in_dim3A_336 = vector.broadcast %broadcast_in_dim3A_335 : i32 to vector<16xi32>
      %gt3A_337 = arith.cmpf ogt, %get3A_334, %select_n3A_328 : vector<16xf32>
      %gt3A_338 = arith.cmpf ogt, %get3A_334, %select_n3A_325 : vector<16xf32>
      %select_n3A_339 = arith.select %gt3A_338, %get3A_334, %select_n3A_325 : vector<16xi1>, vector<16xf32>
      %select_n3A_340 = arith.select %gt3A_337, %select_n3A_328, %select_n3A_339 : vector<16xi1>, vector<16xf32>
      %select_n3A_341 = arith.select %gt3A_338, %broadcast_in_dim3A_336, %select_n3A_327 : vector<16xi1>, vector<16xi32>
      %select_n3A_342 = arith.select %gt3A_337, %select_n3A_329, %select_n3A_341 : vector<16xi1>, vector<16xi32>
      %select_n3A_343 = arith.select %gt3A_337, %get3A_334, %select_n3A_328 : vector<16xi1>, vector<16xf32>
      %select_n3A_344 = arith.select %gt3A_337, %broadcast_in_dim3A_336, %select_n3A_329 : vector<16xi1>, vector<16xi32>
      %get3A_345 = arith.constant 22 : i32
      %get3A_346 = arith.index_cast %get3A_345 : i32 to index
      %get3A_347 = arith.index_cast %mul3A_8 : i32 to index
      %get3A_348 = tpu.vector_load %arg5[%get3A_346, %get3A_347] {strides = array<i32>} : memref<64x1024xf32, #tpu.memory_space<vmem>>, vector<1x16xf32>,
      %get3A_349 = vector.shape_cast %get3A_348 : vector<1x16xf32> to vector<16xf32>
      %broadcast_in_dim3A_350 = arith.constant 6 : i32
      %broadcast_in_dim3A_351 = vector.broadcast %broadcast_in_dim3A_350 : i32 to vector<16xi32>
      %gt3A_352 = arith.cmpf ogt, %get3A_349, %select_n3A_343 : vector<16xf32>
      %gt3A_353 = arith.cmpf ogt, %get3A_349, %select_n3A_340 : vector<16xf32>
      %select_n3A_354 = arith.select %gt3A_353, %get3A_349, %select_n3A_340 : vector<16xi1>, vector<16xf32>
      %select_n3A_355 = arith.select %gt3A_352, %select_n3A_343, %select_n3A_354 : vector<16xi1>, vector<16xf32>
      %select_n3A_356 = arith.select %gt3A_353, %broadcast_in_dim3A_351, %select_n3A_342 : vector<16xi1>, vector<16xi32>
      %select_n3A_357 = arith.select %gt3A_352, %select_n3A_344, %select_n3A_356 : vector<16xi1>, vector<16xi32>
      %select_n3A_358 = arith.select %gt3A_352, %get3A_349, %select_n3A_343 : vector<16xi1>, vector<16xf32>
      %select_n3A_359 = arith.select %gt3A_352, %broadcast_in_dim3A_351, %select_n3A_344 : vector<16xi1>, vector<16xi32>
      %get3A_360 = arith.constant 23 : i32
      %get3A_361 = arith.index_cast %get3A_360 : i32 to index
      %get3A_362 = arith.index_cast %mul3A_8 : i32 to index
      %get3A_363 = tpu.vector_load %arg5[%get3A_361, %get3A_362] {strides = array<i32>} : memref<64x1024xf32, #tpu.memory_space<vmem>>, vector<1x16xf32>,
      %get3A_364 = vector.shape_cast %get3A_363 : vector<1x16xf32> to vector<16xf32>
      %broadcast_in_dim3A_365 = arith.constant 7 : i32
      %broadcast_in_dim3A_366 = vector.broadcast %broadcast_in_dim3A_365 : i32 to vector<16xi32>
      %gt3A_367 = arith.cmpf ogt, %get3A_364, %select_n3A_358 : vector<16xf32>
      %gt3A_368 = arith.cmpf ogt, %get3A_364, %select_n3A_355 : vector<16xf32>
      %select_n3A_369 = arith.select %gt3A_368, %get3A_364, %select_n3A_355 : vector<16xi1>, vector<16xf32>
      %select_n3A_370 = arith.select %gt3A_367, %select_n3A_358, %select_n3A_369 : vector<16xi1>, vector<16xf32>
      %select_n3A_371 = arith.select %gt3A_368, %broadcast_in_dim3A_366, %select_n3A_357 : vector<16xi1>, vector<16xi32>
      %select_n3A_372 = arith.select %gt3A_367, %select_n3A_359, %select_n3A_371 : vector<16xi1>, vector<16xi32>
      %select_n3A_373 = arith.select %gt3A_367, %get3A_364, %select_n3A_358 : vector<16xi1>, vector<16xf32>
      %select_n3A_374 = arith.select %gt3A_367, %broadcast_in_dim3A_366, %select_n3A_359 : vector<16xi1>, vector<16xi32>
      %get3A_375 = arith.constant 24 : i32
      %get3A_376 = arith.index_cast %get3A_375 : i32 to index
      %get3A_377 = arith.index_cast %mul3A_8 : i32 to index
      %get3A_378 = tpu.vector_load %arg5[%get3A_376, %get3A_377] {strides = array<i32>} : memref<64x1024xf32, #tpu.memory_space<vmem>>, vector<1x16xf32>,
      %get3A_379 = vector.shape_cast %get3A_378 : vector<1x16xf32> to vector<16xf32>
      %get3A_380 = arith.constant 25 : i32
      %get3A_381 = arith.index_cast %get3A_380 : i32 to index
      %get3A_382 = arith.index_cast %mul3A_8 : i32 to index
      %get3A_383 = tpu.vector_load %arg5[%get3A_381, %get3A_382] {strides = array<i32>} : memref<64x1024xf32, #tpu.memory_space<vmem>>, vector<1x16xf32>,
      %get3A_384 = vector.shape_cast %get3A_383 : vector<1x16xf32> to vector<16xf32>
      %broadcast_in_dim3A_385 = arith.constant 0 : i32
      %broadcast_in_dim3A_386 = vector.broadcast %broadcast_in_dim3A_385 : i32 to vector<16xi32>
      %broadcast_in_dim3A_387 = arith.constant 1 : i32
      %broadcast_in_dim3A_388 = vector.broadcast %broadcast_in_dim3A_387 : i32 to vector<16xi32>
      %gt3A_389 = arith.cmpf ogt, %get3A_384, %get3A_379 : vector<16xf32>
      %select_n3A_390 = arith.select %gt3A_389, %get3A_384, %get3A_379 : vector<16xi1>, vector<16xf32>
      %select_n3A_391 = arith.select %gt3A_389, %broadcast_in_dim3A_388, %broadcast_in_dim3A_386 : vector<16xi1>, vector<16xi32>
      %select_n3A_392 = arith.select %gt3A_389, %get3A_379, %get3A_384 : vector<16xi1>, vector<16xf32>
      %select_n3A_393 = arith.select %gt3A_389, %broadcast_in_dim3A_386, %broadcast_in_dim3A_388 : vector<16xi1>, vector<16xi32>
      %get3A_394 = arith.constant 26 : i32
      %get3A_395 = arith.index_cast %get3A_394 : i32 to index
      %get3A_396 = arith.index_cast %mul3A_8 : i32 to index
      %get3A_397 = tpu.vector_load %arg5[%get3A_395, %get3A_396] {strides = array<i32>} : memref<64x1024xf32, #tpu.memory_space<vmem>>, vector<1x16xf32>,
      %get3A_398 = vector.shape_cast %get3A_397 : vector<1x16xf32> to vector<16xf32>
      %broadcast_in_dim3A_399 = arith.constant 2 : i32
      %broadcast_in_dim3A_400 = vector.broadcast %broadcast_in_dim3A_399 : i32 to vector<16xi32>
      %gt3A_401 = arith.cmpf ogt, %get3A_398, %select_n3A_390 : vector<16xf32>
      %gt3A_402 = arith.cmpf ogt, %get3A_398, %select_n3A_392 : vector<16xf32>
      %select_n3A_403 = arith.select %gt3A_402, %get3A_398, %select_n3A_392 : vector<16xi1>, vector<16xf32>
      %select_n3A_404 = arith.select %gt3A_401, %select_n3A_390, %select_n3A_403 : vector<16xi1>, vector<16xf32>
      %select_n3A_405 = arith.select %gt3A_402, %broadcast_in_dim3A_400, %select_n3A_393 : vector<16xi1>, vector<16xi32>
      %select_n3A_406 = arith.select %gt3A_401, %select_n3A_391, %select_n3A_405 : vector<16xi1>, vector<16xi32>
      %select_n3A_407 = arith.select %gt3A_401, %get3A_398, %select_n3A_390 : vector<16xi1>, vector<16xf32>
      %select_n3A_408 = arith.select %gt3A_401, %broadcast_in_dim3A_400, %select_n3A_391 : vector<16xi1>, vector<16xi32>
      %get3A_409 = arith.constant 27 : i32
      %get3A_410 = arith.index_cast %get3A_409 : i32 to index
      %get3A_411 = arith.index_cast %mul3A_8 : i32 to index
      %get3A_412 = tpu.vector_load %arg5[%get3A_410, %get3A_411] {strides = array<i32>} : memref<64x1024xf32, #tpu.memory_space<vmem>>, vector<1x16xf32>,
      %get3A_413 = vector.shape_cast %get3A_412 : vector<1x16xf32> to vector<16xf32>
      %broadcast_in_dim3A_414 = arith.constant 3 : i32
      %broadcast_in_dim3A_415 = vector.broadcast %broadcast_in_dim3A_414 : i32 to vector<16xi32>
      %gt3A_416 = arith.cmpf ogt, %get3A_413, %select_n3A_407 : vector<16xf32>
      %gt3A_417 = arith.cmpf ogt, %get3A_413, %select_n3A_404 : vector<16xf32>
      %select_n3A_418 = arith.select %gt3A_417, %get3A_413, %select_n3A_404 : vector<16xi1>, vector<16xf32>
      %select_n3A_419 = arith.select %gt3A_416, %select_n3A_407, %select_n3A_418 : vector<16xi1>, vector<16xf32>
      %select_n3A_420 = arith.select %gt3A_417, %broadcast_in_dim3A_415, %select_n3A_406 : vector<16xi1>, vector<16xi32>
      %select_n3A_421 = arith.select %gt3A_416, %select_n3A_408, %select_n3A_420 : vector<16xi1>, vector<16xi32>
      %select_n3A_422 = arith.select %gt3A_416, %get3A_413, %select_n3A_407 : vector<16xi1>, vector<16xf32>
      %select_n3A_423 = arith.select %gt3A_416, %broadcast_in_dim3A_415, %select_n3A_408 : vector<16xi1>, vector<16xi32>
      %get3A_424 = arith.constant 28 : i32
      %get3A_425 = arith.index_cast %get3A_424 : i32 to index
      %get3A_426 = arith.index_cast %mul3A_8 : i32 to index
      %get3A_427 = tpu.vector_load %arg5[%get3A_425, %get3A_426] {strides = array<i32>} : memref<64x1024xf32, #tpu.memory_space<vmem>>, vector<1x16xf32>,
      %get3A_428 = vector.shape_cast %get3A_427 : vector<1x16xf32> to vector<16xf32>
      %broadcast_in_dim3A_429 = arith.constant 4 : i32
      %broadcast_in_dim3A_430 = vector.broadcast %broadcast_in_dim3A_429 : i32 to vector<16xi32>
      %gt3A_431 = arith.cmpf ogt, %get3A_428, %select_n3A_422 : vector<16xf32>
      %gt3A_432 = arith.cmpf ogt, %get3A_428, %select_n3A_419 : vector<16xf32>
      %select_n3A_433 = arith.select %gt3A_432, %get3A_428, %select_n3A_419 : vector<16xi1>, vector<16xf32>
      %select_n3A_434 = arith.select %gt3A_431, %select_n3A_422, %select_n3A_433 : vector<16xi1>, vector<16xf32>
      %select_n3A_435 = arith.select %gt3A_432, %broadcast_in_dim3A_430, %select_n3A_421 : vector<16xi1>, vector<16xi32>
      %select_n3A_436 = arith.select %gt3A_431, %select_n3A_423, %select_n3A_435 : vector<16xi1>, vector<16xi32>
      %select_n3A_437 = arith.select %gt3A_431, %get3A_428, %select_n3A_422 : vector<16xi1>, vector<16xf32>
      %select_n3A_438 = arith.select %gt3A_431, %broadcast_in_dim3A_430, %select_n3A_423 : vector<16xi1>, vector<16xi32>
      %get3A_439 = arith.constant 29 : i32
      %get3A_440 = arith.index_cast %get3A_439 : i32 to index
      %get3A_441 = arith.index_cast %mul3A_8 : i32 to index
      %get3A_442 = tpu.vector_load %arg5[%get3A_440, %get3A_441] {strides = array<i32>} : memref<64x1024xf32, #tpu.memory_space<vmem>>, vector<1x16xf32>,
      %get3A_443 = vector.shape_cast %get3A_442 : vector<1x16xf32> to vector<16xf32>
      %broadcast_in_dim3A_444 = arith.constant 5 : i32
      %broadcast_in_dim3A_445 = vector.broadcast %broadcast_in_dim3A_444 : i32 to vector<16xi32>
      %gt3A_446 = arith.cmpf ogt, %get3A_443, %select_n3A_437 : vector<16xf32>
      %gt3A_447 = arith.cmpf ogt, %get3A_443, %select_n3A_434 : vector<16xf32>
      %select_n3A_448 = arith.select %gt3A_447, %get3A_443, %select_n3A_434 : vector<16xi1>, vector<16xf32>
      %select_n3A_449 = arith.select %gt3A_446, %select_n3A_437, %select_n3A_448 : vector<16xi1>, vector<16xf32>
      %select_n3A_450 = arith.select %gt3A_447, %broadcast_in_dim3A_445, %select_n3A_436 : vector<16xi1>, vector<16xi32>
      %select_n3A_451 = arith.select %gt3A_446, %select_n3A_438, %select_n3A_450 : vector<16xi1>, vector<16xi32>
      %select_n3A_452 = arith.select %gt3A_446, %get3A_443, %select_n3A_437 : vector<16xi1>, vector<16xf32>
      %select_n3A_453 = arith.select %gt3A_446, %broadcast_in_dim3A_445, %select_n3A_438 : vector<16xi1>, vector<16xi32>
      %get3A_454 = arith.constant 30 : i32
      %get3A_455 = arith.index_cast %get3A_454 : i32 to index
      %get3A_456 = arith.index_cast %mul3A_8 : i32 to index
      %get3A_457 = tpu.vector_load %arg5[%get3A_455, %get3A_456] {strides = array<i32>} : memref<64x1024xf32, #tpu.memory_space<vmem>>, vector<1x16xf32>,
      %get3A_458 = vector.shape_cast %get3A_457 : vector<1x16xf32> to vector<16xf32>
      %broadcast_in_dim3A_459 = arith.constant 6 : i32
      %broadcast_in_dim3A_460 = vector.broadcast %broadcast_in_dim3A_459 : i32 to vector<16xi32>
      %gt3A_461 = arith.cmpf ogt, %get3A_458, %select_n3A_452 : vector<16xf32>
      %gt3A_462 = arith.cmpf ogt, %get3A_458, %select_n3A_449 : vector<16xf32>
      %select_n3A_463 = arith.select %gt3A_462, %get3A_458, %select_n3A_449 : vector<16xi1>, vector<16xf32>
      %select_n3A_464 = arith.select %gt3A_461, %select_n3A_452, %select_n3A_463 : vector<16xi1>, vector<16xf32>
      %select_n3A_465 = arith.select %gt3A_462, %broadcast_in_dim3A_460, %select_n3A_451 : vector<16xi1>, vector<16xi32>
      %select_n3A_466 = arith.select %gt3A_461, %select_n3A_453, %select_n3A_465 : vector<16xi1>, vector<16xi32>
      %select_n3A_467 = arith.select %gt3A_461, %get3A_458, %select_n3A_452 : vector<16xi1>, vector<16xf32>
      %select_n3A_468 = arith.select %gt3A_461, %broadcast_in_dim3A_460, %select_n3A_453 : vector<16xi1>, vector<16xi32>
      %get3A_469 = arith.constant 31 : i32
      %get3A_470 = arith.index_cast %get3A_469 : i32 to index
      %get3A_471 = arith.index_cast %mul3A_8 : i32 to index
      %get3A_472 = tpu.vector_load %arg5[%get3A_470, %get3A_471] {strides = array<i32>} : memref<64x1024xf32, #tpu.memory_space<vmem>>, vector<1x16xf32>,
      %get3A_473 = vector.shape_cast %get3A_472 : vector<1x16xf32> to vector<16xf32>
      %broadcast_in_dim3A_474 = arith.constant 7 : i32
      %broadcast_in_dim3A_475 = vector.broadcast %broadcast_in_dim3A_474 : i32 to vector<16xi32>
      %gt3A_476 = arith.cmpf ogt, %get3A_473, %select_n3A_467 : vector<16xf32>
      %gt3A_477 = arith.cmpf ogt, %get3A_473, %select_n3A_464 : vector<16xf32>
      %select_n3A_478 = arith.select %gt3A_477, %get3A_473, %select_n3A_464 : vector<16xi1>, vector<16xf32>
      %select_n3A_479 = arith.select %gt3A_476, %select_n3A_467, %select_n3A_478 : vector<16xi1>, vector<16xf32>
      %select_n3A_480 = arith.select %gt3A_477, %broadcast_in_dim3A_475, %select_n3A_466 : vector<16xi1>, vector<16xi32>
      %select_n3A_481 = arith.select %gt3A_476, %select_n3A_468, %select_n3A_480 : vector<16xi1>, vector<16xi32>
      %select_n3A_482 = arith.select %gt3A_476, %get3A_473, %select_n3A_467 : vector<16xi1>, vector<16xf32>
      %select_n3A_483 = arith.select %gt3A_476, %broadcast_in_dim3A_475, %select_n3A_468 : vector<16xi1>, vector<16xi32>
      %add3A_484 = arith.addf %select_n3A_373, %select_n3A_482 : vector<16xf32>
      %add3A_485 = arith.addf %select_n3A_373, %select_n3A_479 : vector<16xf32>
      %add3A_486 = arith.addf %select_n3A_370, %select_n3A_482 : vector<16xf32>
      %ge3A_487 = arith.cmpf oge, %add3A_485, %add3A_486 : vector<16xf32>
      %select_n3A_488 = arith.select %ge3A_487, %add3A_485, %add3A_486 : vector<16xi1>, vector<16xf32>
      %select_n3A_489 = arith.select %ge3A_487, %select_n3A_374, %select_n3A_372 : vector<16xi1>, vector<16xi32>
      %select_n3A_490 = arith.select %ge3A_487, %select_n3A_481, %select_n3A_483 : vector<16xi1>, vector<16xi32>
      %mul3A_491 = arith.constant 8 : i32
      %mul3A_492 = vector.broadcast %mul3A_491 : i32 to vector<16xi32>
      %mul3A_493 = arith.muli %select_n3A_374, %mul3A_492 : vector<16xi32>
      %add3A_494 = arith.addi %mul3A_493, %select_n3A_483 : vector<16xi32>
      %mul3A_495 = arith.constant 8 : i32
      %mul3A_496 = vector.broadcast %mul3A_495 : i32 to vector<16xi32>
      %mul3A_497 = arith.muli %select_n3A_489, %mul3A_496 : vector<16xi32>
      %add3A_498 = arith.addi %mul3A_497, %select_n3A_490 : vector<16xi32>
      %sub3A_499 = arith.subf %select_n3A_488, %add3A_484 : vector<16xf32>
      %exp3A_500 = math.exp %sub3A_499 : vector<16xf32>
      %add3A_501 = arith.constant 1.000000e+00 : f32
      %add3A_502 = vector.broadcast %add3A_501 : f32 to vector<16xf32>
      %add3A_503 = arith.addf %exp3A_500, %add3A_502 : vector<16xf32>
      %div3A_504 = arith.constant 1.000000e+00 : f32
      %div3A_505 = vector.broadcast %div3A_504 : f32 to vector<16xf32>
      %div3A_506 = arith.divf %div3A_505, %add3A_503 : vector<16xf32>
      %div3A_507 = arith.divf %exp3A_500, %add3A_503 : vector<16xf32>
      %swap3A_508 = arith.constant 2 : i32
      %swap3A_509 = arith.index_cast %swap3A_508 : i32 to index
      %swap3A_510 = arith.index_cast %mul3A_8 : i32 to index
      %swap3A_511 = tpu.vector_load %arg6[%swap3A_509, %swap3A_510] {strides = array<i32>} : memref<8x1024xf32, #tpu.memory_space<vmem>>, vector<1x16xf32>,
      %swap3A_512 = vector.shape_cast %swap3A_511 : vector<1x16xf32> to vector<16xf32>
      %swap3A_513 = vector.shape_cast %div3A_506 : vector<16xf32> to vector<1x16xf32>
      tpu.vector_store %arg6[%swap3A_509, %swap3A_510], %swap3A_513 {strides = array<i32>} : memref<8x1024xf32, #tpu.memory_space<vmem>>, vector<1x16xf32>,
      %swap3A_514 = arith.constant 3 : i32
      %swap3A_515 = arith.index_cast %swap3A_514 : i32 to index
      %swap3A_516 = arith.index_cast %mul3A_8 : i32 to index
      %swap3A_517 = tpu.vector_load %arg6[%swap3A_515, %swap3A_516] {strides = array<i32>} : memref<8x1024xf32, #tpu.memory_space<vmem>>, vector<1x16xf32>,
      %swap3A_518 = vector.shape_cast %swap3A_517 : vector<1x16xf32> to vector<16xf32>
      %swap3A_519 = vector.shape_cast %div3A_507 : vector<16xf32> to vector<1x16xf32>
      tpu.vector_store %arg6[%swap3A_515, %swap3A_516], %swap3A_519 {strides = array<i32>} : memref<8x1024xf32, #tpu.memory_space<vmem>>, vector<1x16xf32>,
      %swap3A_520 = arith.constant 2 : i32
      %swap3A_521 = arith.index_cast %swap3A_520 : i32 to index
      %swap3A_522 = arith.index_cast %mul3A_8 : i32 to index
      %swap3A_523 = tpu.vector_load %arg7[%swap3A_521, %swap3A_522] {strides = array<i32>} : memref<8x1024xi32, #tpu.memory_space<vmem>>, vector<1x16xi32>,
      %swap3A_524 = vector.shape_cast %swap3A_523 : vector<1x16xi32> to vector<16xi32>
      %swap3A_525 = vector.shape_cast %add3A_494 : vector<16xi32> to vector<1x16xi32>
      tpu.vector_store %arg7[%swap3A_521, %swap3A_522], %swap3A_525 {strides = array<i32>} : memref<8x1024xi32, #tpu.memory_space<vmem>>, vector<1x16xi32>,
      %swap3A_526 = arith.constant 3 : i32
      %swap3A_527 = arith.index_cast %swap3A_526 : i32 to index
      %swap3A_528 = arith.index_cast %mul3A_8 : i32 to index
      %swap3A_529 = tpu.vector_load %arg7[%swap3A_527, %swap3A_528] {strides = array<i32>} : memref<8x1024xi32, #tpu.memory_space<vmem>>, vector<1x16xi32>,
      %swap3A_530 = vector.shape_cast %swap3A_529 : vector<1x16xi32> to vector<16xi32>
      %swap3A_531 = vector.shape_cast %add3A_498 : vector<16xi32> to vector<1x16xi32>
      tpu.vector_store %arg7[%swap3A_527, %swap3A_528], %swap3A_531 {strides = array<i32>} : memref<8x1024xi32, #tpu.memory_space<vmem>>, vector<1x16xi32>,
      %get3A_532 = arith.constant 32 : i32
      %get3A_533 = arith.index_cast %get3A_532 : i32 to index
      %get3A_534 = arith.index_cast %mul3A_8 : i32 to index
      %get3A_535 = tpu.vector_load %arg5[%get3A_533, %get3A_534] {strides = array<i32>} : memref<64x1024xf32, #tpu.memory_space<vmem>>, vector<1x16xf32>,
      %get3A_536 = vector.shape_cast %get3A_535 : vector<1x16xf32> to vector<16xf32>
      %get3A_537 = arith.constant 33 : i32
      %get3A_538 = arith.index_cast %get3A_537 : i32 to index
      %get3A_539 = arith.index_cast %mul3A_8 : i32 to index
      %get3A_540 = tpu.vector_load %arg5[%get3A_538, %get3A_539] {strides = array<i32>} : memref<64x1024xf32, #tpu.memory_space<vmem>>, vector<1x16xf32>,
      %get3A_541 = vector.shape_cast %get3A_540 : vector<1x16xf32> to vector<16xf32>
      %broadcast_in_dim3A_542 = arith.constant 0 : i32
      %broadcast_in_dim3A_543 = vector.broadcast %broadcast_in_dim3A_542 : i32 to vector<16xi32>
      %broadcast_in_dim3A_544 = arith.constant 1 : i32
      %broadcast_in_dim3A_545 = vector.broadcast %broadcast_in_dim3A_544 : i32 to vector<16xi32>
      %gt3A_546 = arith.cmpf ogt, %get3A_541, %get3A_536 : vector<16xf32>
      %select_n3A_547 = arith.select %gt3A_546, %get3A_541, %get3A_536 : vector<16xi1>, vector<16xf32>
      %select_n3A_548 = arith.select %gt3A_546, %broadcast_in_dim3A_545, %broadcast_in_dim3A_543 : vector<16xi1>, vector<16xi32>
      %select_n3A_549 = arith.select %gt3A_546, %get3A_536, %get3A_541 : vector<16xi1>, vector<16xf32>
      %select_n3A_550 = arith.select %gt3A_546, %broadcast_in_dim3A_543, %broadcast_in_dim3A_545 : vector<16xi1>, vector<16xi32>
      %get3A_551 = arith.constant 34 : i32
      %get3A_552 = arith.index_cast %get3A_551 : i32 to index
      %get3A_553 = arith.index_cast %mul3A_8 : i32 to index
      %get3A_554 = tpu.vector_load %arg5[%get3A_552, %get3A_553] {strides = array<i32>} : memref<64x1024xf32, #tpu.memory_space<vmem>>, vector<1x16xf32>,
      %get3A_555 = vector.shape_cast %get3A_554 : vector<1x16xf32> to vector<16xf32>
      %broadcast_in_dim3A_556 = arith.constant 2 : i32
      %broadcast_in_dim3A_557 = vector.broadcast %broadcast_in_dim3A_556 : i32 to vector<16xi32>
      %gt3A_558 = arith.cmpf ogt, %get3A_555, %select_n3A_547 : vector<16xf32>
      %gt3A_559 = arith.cmpf ogt, %get3A_555, %select_n3A_549 : vector<16xf32>
      %select_n3A_560 = arith.select %gt3A_559, %get3A_555, %select_n3A_549 : vector<16xi1>, vector<16xf32>
      %select_n3A_561 = arith.select %gt3A_558, %select_n3A_547, %select_n3A_560 : vector<16xi1>, vector<16xf32>
      %select_n3A_562 = arith.select %gt3A_559, %broadcast_in_dim3A_557, %select_n3A_550 : vector<16xi1>, vector<16xi32>
      %select_n3A_563 = arith.select %gt3A_558, %select_n3A_548, %select_n3A_562 : vector<16xi1>, vector<16xi32>
      %select_n3A_564 = arith.select %gt3A_558, %get3A_555, %select_n3A_547 : vector<16xi1>, vector<16xf32>
      %select_n3A_565 = arith.select %gt3A_558, %broadcast_in_dim3A_557, %select_n3A_548 : vector<16xi1>, vector<16xi32>
      %get3A_566 = arith.constant 35 : i32
      %get3A_567 = arith.index_cast %get3A_566 : i32 to index
      %get3A_568 = arith.index_cast %mul3A_8 : i32 to index
      %get3A_569 = tpu.vector_load %arg5[%get3A_567, %get3A_568] {strides = array<i32>} : memref<64x1024xf32, #tpu.memory_space<vmem>>, vector<1x16xf32>,
      %get3A_570 = vector.shape_cast %get3A_569 : vector<1x16xf32> to vector<16xf32>
      %broadcast_in_dim3A_571 = arith.constant 3 : i32
      %broadcast_in_dim3A_572 = vector.broadcast %broadcast_in_dim3A_571 : i32 to vector<16xi32>
      %gt3A_573 = arith.cmpf ogt, %get3A_570, %select_n3A_564 : vector<16xf32>
      %gt3A_574 = arith.cmpf ogt, %get3A_570, %select_n3A_561 : vector<16xf32>
      %select_n3A_575 = arith.select %gt3A_574, %get3A_570, %select_n3A_561 : vector<16xi1>, vector<16xf32>
      %select_n3A_576 = arith.select %gt3A_573, %select_n3A_564, %select_n3A_575 : vector<16xi1>, vector<16xf32>
      %select_n3A_577 = arith.select %gt3A_574, %broadcast_in_dim3A_572, %select_n3A_563 : vector<16xi1>, vector<16xi32>
      %select_n3A_578 = arith.select %gt3A_573, %select_n3A_565, %select_n3A_577 : vector<16xi1>, vector<16xi32>
      %select_n3A_579 = arith.select %gt3A_573, %get3A_570, %select_n3A_564 : vector<16xi1>, vector<16xf32>
      %select_n3A_580 = arith.select %gt3A_573, %broadcast_in_dim3A_572, %select_n3A_565 : vector<16xi1>, vector<16xi32>
      %get3A_581 = arith.constant 36 : i32
      %get3A_582 = arith.index_cast %get3A_581 : i32 to index
      %get3A_583 = arith.index_cast %mul3A_8 : i32 to index
      %get3A_584 = tpu.vector_load %arg5[%get3A_582, %get3A_583] {strides = array<i32>} : memref<64x1024xf32, #tpu.memory_space<vmem>>, vector<1x16xf32>,
      %get3A_585 = vector.shape_cast %get3A_584 : vector<1x16xf32> to vector<16xf32>
      %broadcast_in_dim3A_586 = arith.constant 4 : i32
      %broadcast_in_dim3A_587 = vector.broadcast %broadcast_in_dim3A_586 : i32 to vector<16xi32>
      %gt3A_588 = arith.cmpf ogt, %get3A_585, %select_n3A_579 : vector<16xf32>
      %gt3A_589 = arith.cmpf ogt, %get3A_585, %select_n3A_576 : vector<16xf32>
      %select_n3A_590 = arith.select %gt3A_589, %get3A_585, %select_n3A_576 : vector<16xi1>, vector<16xf32>
      %select_n3A_591 = arith.select %gt3A_588, %select_n3A_579, %select_n3A_590 : vector<16xi1>, vector<16xf32>
      %select_n3A_592 = arith.select %gt3A_589, %broadcast_in_dim3A_587, %select_n3A_578 : vector<16xi1>, vector<16xi32>
      %select_n3A_593 = arith.select %gt3A_588, %select_n3A_580, %select_n3A_592 : vector<16xi1>, vector<16xi32>
      %select_n3A_594 = arith.select %gt3A_588, %get3A_585, %select_n3A_579 : vector<16xi1>, vector<16xf32>
      %select_n3A_595 = arith.select %gt3A_588, %broadcast_in_dim3A_587, %select_n3A_580 : vector<16xi1>, vector<16xi32>
      %get3A_596 = arith.constant 37 : i32
      %get3A_597 = arith.index_cast %get3A_596 : i32 to index
      %get3A_598 = arith.index_cast %mul3A_8 : i32 to index
      %get3A_599 = tpu.vector_load %arg5[%get3A_597, %get3A_598] {strides = array<i32>} : memref<64x1024xf32, #tpu.memory_space<vmem>>, vector<1x16xf32>,
      %get3A_600 = vector.shape_cast %get3A_599 : vector<1x16xf32> to vector<16xf32>
      %broadcast_in_dim3A_601 = arith.constant 5 : i32
      %broadcast_in_dim3A_602 = vector.broadcast %broadcast_in_dim3A_601 : i32 to vector<16xi32>
      %gt3A_603 = arith.cmpf ogt, %get3A_600, %select_n3A_594 : vector<16xf32>
      %gt3A_604 = arith.cmpf ogt, %get3A_600, %select_n3A_591 : vector<16xf32>
      %select_n3A_605 = arith.select %gt3A_604, %get3A_600, %select_n3A_591 : vector<16xi1>, vector<16xf32>
      %select_n3A_606 = arith.select %gt3A_603, %select_n3A_594, %select_n3A_605 : vector<16xi1>, vector<16xf32>
      %select_n3A_607 = arith.select %gt3A_604, %broadcast_in_dim3A_602, %select_n3A_593 : vector<16xi1>, vector<16xi32>
      %select_n3A_608 = arith.select %gt3A_603, %select_n3A_595, %select_n3A_607 : vector<16xi1>, vector<16xi32>
      %select_n3A_609 = arith.select %gt3A_603, %get3A_600, %select_n3A_594 : vector<16xi1>, vector<16xf32>
      %select_n3A_610 = arith.select %gt3A_603, %broadcast_in_dim3A_602, %select_n3A_595 : vector<16xi1>, vector<16xi32>
      %get3A_611 = arith.constant 38 : i32
      %get3A_612 = arith.index_cast %get3A_611 : i32 to index
      %get3A_613 = arith.index_cast %mul3A_8 : i32 to index
      %get3A_614 = tpu.vector_load %arg5[%get3A_612, %get3A_613] {strides = array<i32>} : memref<64x1024xf32, #tpu.memory_space<vmem>>, vector<1x16xf32>,
      %get3A_615 = vector.shape_cast %get3A_614 : vector<1x16xf32> to vector<16xf32>
      %broadcast_in_dim3A_616 = arith.constant 6 : i32
      %broadcast_in_dim3A_617 = vector.broadcast %broadcast_in_dim3A_616 : i32 to vector<16xi32>
      %gt3A_618 = arith.cmpf ogt, %get3A_615, %select_n3A_609 : vector<16xf32>
      %gt3A_619 = arith.cmpf ogt, %get3A_615, %select_n3A_606 : vector<16xf32>
      %select_n3A_620 = arith.select %gt3A_619, %get3A_615, %select_n3A_606 : vector<16xi1>, vector<16xf32>
      %select_n3A_621 = arith.select %gt3A_618, %select_n3A_609, %select_n3A_620 : vector<16xi1>, vector<16xf32>
      %select_n3A_622 = arith.select %gt3A_619, %broadcast_in_dim3A_617, %select_n3A_608 : vector<16xi1>, vector<16xi32>
      %select_n3A_623 = arith.select %gt3A_618, %select_n3A_610, %select_n3A_622 : vector<16xi1>, vector<16xi32>
      %select_n3A_624 = arith.select %gt3A_618, %get3A_615, %select_n3A_609 : vector<16xi1>, vector<16xf32>
      %select_n3A_625 = arith.select %gt3A_618, %broadcast_in_dim3A_617, %select_n3A_610 : vector<16xi1>, vector<16xi32>
      %get3A_626 = arith.constant 39 : i32
      %get3A_627 = arith.index_cast %get3A_626 : i32 to index
      %get3A_628 = arith.index_cast %mul3A_8 : i32 to index
      %get3A_629 = tpu.vector_load %arg5[%get3A_627, %get3A_628] {strides = array<i32>} : memref<64x1024xf32, #tpu.memory_space<vmem>>, vector<1x16xf32>,
      %get3A_630 = vector.shape_cast %get3A_629 : vector<1x16xf32> to vector<16xf32>
      %broadcast_in_dim3A_631 = arith.constant 7 : i32
      %broadcast_in_dim3A_632 = vector.broadcast %broadcast_in_dim3A_631 : i32 to vector<16xi32>
      %gt3A_633 = arith.cmpf ogt, %get3A_630, %select_n3A_624 : vector<16xf32>
      %gt3A_634 = arith.cmpf ogt, %get3A_630, %select_n3A_621 : vector<16xf32>
      %select_n3A_635 = arith.select %gt3A_634, %get3A_630, %select_n3A_621 : vector<16xi1>, vector<16xf32>
      %select_n3A_636 = arith.select %gt3A_633, %select_n3A_624, %select_n3A_635 : vector<16xi1>, vector<16xf32>
      %select_n3A_637 = arith.select %gt3A_634, %broadcast_in_dim3A_632, %select_n3A_623 : vector<16xi1>, vector<16xi32>
      %select_n3A_638 = arith.select %gt3A_633, %select_n3A_625, %select_n3A_637 : vector<16xi1>, vector<16xi32>
      %select_n3A_639 = arith.select %gt3A_633, %get3A_630, %select_n3A_624 : vector<16xi1>, vector<16xf32>
      %select_n3A_640 = arith.select %gt3A_633, %broadcast_in_dim3A_632, %select_n3A_625 : vector<16xi1>, vector<16xi32>
      %get3A_641 = arith.constant 40 : i32
      %get3A_642 = arith.index_cast %get3A_641 : i32 to index
      %get3A_643 = arith.index_cast %mul3A_8 : i32 to index
      %get3A_644 = tpu.vector_load %arg5[%get3A_642, %get3A_643] {strides = array<i32>} : memref<64x1024xf32, #tpu.memory_space<vmem>>, vector<1x16xf32>,
      %get3A_645 = vector.shape_cast %get3A_644 : vector<1x16xf32> to vector<16xf32>
      %get3A_646 = arith.constant 41 : i32
      %get3A_647 = arith.index_cast %get3A_646 : i32 to index
      %get3A_648 = arith.index_cast %mul3A_8 : i32 to index
      %get3A_649 = tpu.vector_load %arg5[%get3A_647, %get3A_648] {strides = array<i32>} : memref<64x1024xf32, #tpu.memory_space<vmem>>, vector<1x16xf32>,
      %get3A_650 = vector.shape_cast %get3A_649 : vector<1x16xf32> to vector<16xf32>
      %broadcast_in_dim3A_651 = arith.constant 0 : i32
      %broadcast_in_dim3A_652 = vector.broadcast %broadcast_in_dim3A_651 : i32 to vector<16xi32>
      %broadcast_in_dim3A_653 = arith.constant 1 : i32
      %broadcast_in_dim3A_654 = vector.broadcast %broadcast_in_dim3A_653 : i32 to vector<16xi32>
      %gt3A_655 = arith.cmpf ogt, %get3A_650, %get3A_645 : vector<16xf32>
      %select_n3A_656 = arith.select %gt3A_655, %get3A_650, %get3A_645 : vector<16xi1>, vector<16xf32>
      %select_n3A_657 = arith.select %gt3A_655, %broadcast_in_dim3A_654, %broadcast_in_dim3A_652 : vector<16xi1>, vector<16xi32>
      %select_n3A_658 = arith.select %gt3A_655, %get3A_645, %get3A_650 : vector<16xi1>, vector<16xf32>
      %select_n3A_659 = arith.select %gt3A_655, %broadcast_in_dim3A_652, %broadcast_in_dim3A_654 : vector<16xi1>, vector<16xi32>
      %get3A_660 = arith.constant 42 : i32
      %get3A_661 = arith.index_cast %get3A_660 : i32 to index
      %get3A_662 = arith.index_cast %mul3A_8 : i32 to index
      %get3A_663 = tpu.vector_load %arg5[%get3A_661, %get3A_662] {strides = array<i32>} : memref<64x1024xf32, #tpu.memory_space<vmem>>, vector<1x16xf32>,
      %get3A_664 = vector.shape_cast %get3A_663 : vector<1x16xf32> to vector<16xf32>
      %broadcast_in_dim3A_665 = arith.constant 2 : i32
      %broadcast_in_dim3A_666 = vector.broadcast %broadcast_in_dim3A_665 : i32 to vector<16xi32>
      %gt3A_667 = arith.cmpf ogt, %get3A_664, %select_n3A_656 : vector<16xf32>
      %gt3A_668 = arith.cmpf ogt, %get3A_664, %select_n3A_658 : vector<16xf32>
      %select_n3A_669 = arith.select %gt3A_668, %get3A_664, %select_n3A_658 : vector<16xi1>, vector<16xf32>
      %select_n3A_670 = arith.select %gt3A_667, %select_n3A_656, %select_n3A_669 : vector<16xi1>, vector<16xf32>
      %select_n3A_671 = arith.select %gt3A_668, %broadcast_in_dim3A_666, %select_n3A_659 : vector<16xi1>, vector<16xi32>
      %select_n3A_672 = arith.select %gt3A_667, %select_n3A_657, %select_n3A_671 : vector<16xi1>, vector<16xi32>
      %select_n3A_673 = arith.select %gt3A_667, %get3A_664, %select_n3A_656 : vector<16xi1>, vector<16xf32>
      %select_n3A_674 = arith.select %gt3A_667, %broadcast_in_dim3A_666, %select_n3A_657 : vector<16xi1>, vector<16xi32>
      %get3A_675 = arith.constant 43 : i32
      %get3A_676 = arith.index_cast %get3A_675 : i32 to index
      %get3A_677 = arith.index_cast %mul3A_8 : i32 to index
      %get3A_678 = tpu.vector_load %arg5[%get3A_676, %get3A_677] {strides = array<i32>} : memref<64x1024xf32, #tpu.memory_space<vmem>>, vector<1x16xf32>,
      %get3A_679 = vector.shape_cast %get3A_678 : vector<1x16xf32> to vector<16xf32>
      %broadcast_in_dim3A_680 = arith.constant 3 : i32
      %broadcast_in_dim3A_681 = vector.broadcast %broadcast_in_dim3A_680 : i32 to vector<16xi32>
      %gt3A_682 = arith.cmpf ogt, %get3A_679, %select_n3A_673 : vector<16xf32>
      %gt3A_683 = arith.cmpf ogt, %get3A_679, %select_n3A_670 : vector<16xf32>
      %select_n3A_684 = arith.select %gt3A_683, %get3A_679, %select_n3A_670 : vector<16xi1>, vector<16xf32>
      %select_n3A_685 = arith.select %gt3A_682, %select_n3A_673, %select_n3A_684 : vector<16xi1>, vector<16xf32>
      %select_n3A_686 = arith.select %gt3A_683, %broadcast_in_dim3A_681, %select_n3A_672 : vector<16xi1>, vector<16xi32>
      %select_n3A_687 = arith.select %gt3A_682, %select_n3A_674, %select_n3A_686 : vector<16xi1>, vector<16xi32>
      %select_n3A_688 = arith.select %gt3A_682, %get3A_679, %select_n3A_673 : vector<16xi1>, vector<16xf32>
      %select_n3A_689 = arith.select %gt3A_682, %broadcast_in_dim3A_681, %select_n3A_674 : vector<16xi1>, vector<16xi32>
      %get3A_690 = arith.constant 44 : i32
      %get3A_691 = arith.index_cast %get3A_690 : i32 to index
      %get3A_692 = arith.index_cast %mul3A_8 : i32 to index
      %get3A_693 = tpu.vector_load %arg5[%get3A_691, %get3A_692] {strides = array<i32>} : memref<64x1024xf32, #tpu.memory_space<vmem>>, vector<1x16xf32>,
      %get3A_694 = vector.shape_cast %get3A_693 : vector<1x16xf32> to vector<16xf32>
      %broadcast_in_dim3A_695 = arith.constant 4 : i32
      %broadcast_in_dim3A_696 = vector.broadcast %broadcast_in_dim3A_695 : i32 to vector<16xi32>
      %gt3A_697 = arith.cmpf ogt, %get3A_694, %select_n3A_688 : vector<16xf32>
      %gt3A_698 = arith.cmpf ogt, %get3A_694, %select_n3A_685 : vector<16xf32>
      %select_n3A_699 = arith.select %gt3A_698, %get3A_694, %select_n3A_685 : vector<16xi1>, vector<16xf32>
      %select_n3A_700 = arith.select %gt3A_697, %select_n3A_688, %select_n3A_699 : vector<16xi1>, vector<16xf32>
      %select_n3A_701 = arith.select %gt3A_698, %broadcast_in_dim3A_696, %select_n3A_687 : vector<16xi1>, vector<16xi32>
      %select_n3A_702 = arith.select %gt3A_697, %select_n3A_689, %select_n3A_701 : vector<16xi1>, vector<16xi32>
      %select_n3A_703 = arith.select %gt3A_697, %get3A_694, %select_n3A_688 : vector<16xi1>, vector<16xf32>
      %select_n3A_704 = arith.select %gt3A_697, %broadcast_in_dim3A_696, %select_n3A_689 : vector<16xi1>, vector<16xi32>
      %get3A_705 = arith.constant 45 : i32
      %get3A_706 = arith.index_cast %get3A_705 : i32 to index
      %get3A_707 = arith.index_cast %mul3A_8 : i32 to index
      %get3A_708 = tpu.vector_load %arg5[%get3A_706, %get3A_707] {strides = array<i32>} : memref<64x1024xf32, #tpu.memory_space<vmem>>, vector<1x16xf32>,
      %get3A_709 = vector.shape_cast %get3A_708 : vector<1x16xf32> to vector<16xf32>
      %broadcast_in_dim3A_710 = arith.constant 5 : i32
      %broadcast_in_dim3A_711 = vector.broadcast %broadcast_in_dim3A_710 : i32 to vector<16xi32>
      %gt3A_712 = arith.cmpf ogt, %get3A_709, %select_n3A_703 : vector<16xf32>
      %gt3A_713 = arith.cmpf ogt, %get3A_709, %select_n3A_700 : vector<16xf32>
      %select_n3A_714 = arith.select %gt3A_713, %get3A_709, %select_n3A_700 : vector<16xi1>, vector<16xf32>
      %select_n3A_715 = arith.select %gt3A_712, %select_n3A_703, %select_n3A_714 : vector<16xi1>, vector<16xf32>
      %select_n3A_716 = arith.select %gt3A_713, %broadcast_in_dim3A_711, %select_n3A_702 : vector<16xi1>, vector<16xi32>
      %select_n3A_717 = arith.select %gt3A_712, %select_n3A_704, %select_n3A_716 : vector<16xi1>, vector<16xi32>
      %select_n3A_718 = arith.select %gt3A_712, %get3A_709, %select_n3A_703 : vector<16xi1>, vector<16xf32>
      %select_n3A_719 = arith.select %gt3A_712, %broadcast_in_dim3A_711, %select_n3A_704 : vector<16xi1>, vector<16xi32>
      %get3A_720 = arith.constant 46 : i32
      %get3A_721 = arith.index_cast %get3A_720 : i32 to index
      %get3A_722 = arith.index_cast %mul3A_8 : i32 to index
      %get3A_723 = tpu.vector_load %arg5[%get3A_721, %get3A_722] {strides = array<i32>} : memref<64x1024xf32, #tpu.memory_space<vmem>>, vector<1x16xf32>,
      %get3A_724 = vector.shape_cast %get3A_723 : vector<1x16xf32> to vector<16xf32>
      %broadcast_in_dim3A_725 = arith.constant 6 : i32
      %broadcast_in_dim3A_726 = vector.broadcast %broadcast_in_dim3A_725 : i32 to vector<16xi32>
      %gt3A_727 = arith.cmpf ogt, %get3A_724, %select_n3A_718 : vector<16xf32>
      %gt3A_728 = arith.cmpf ogt, %get3A_724, %select_n3A_715 : vector<16xf32>
      %select_n3A_729 = arith.select %gt3A_728, %get3A_724, %select_n3A_715 : vector<16xi1>, vector<16xf32>
      %select_n3A_730 = arith.select %gt3A_727, %select_n3A_718, %select_n3A_729 : vector<16xi1>, vector<16xf32>
      %select_n3A_731 = arith.select %gt3A_728, %broadcast_in_dim3A_726, %select_n3A_717 : vector<16xi1>, vector<16xi32>
      %select_n3A_732 = arith.select %gt3A_727, %select_n3A_719, %select_n3A_731 : vector<16xi1>, vector<16xi32>
      %select_n3A_733 = arith.select %gt3A_727, %get3A_724, %select_n3A_718 : vector<16xi1>, vector<16xf32>
      %select_n3A_734 = arith.select %gt3A_727, %broadcast_in_dim3A_726, %select_n3A_719 : vector<16xi1>, vector<16xi32>
      %get3A_735 = arith.constant 47 : i32
      %get3A_736 = arith.index_cast %get3A_735 : i32 to index
      %get3A_737 = arith.index_cast %mul3A_8 : i32 to index
      %get3A_738 = tpu.vector_load %arg5[%get3A_736, %get3A_737] {strides = array<i32>} : memref<64x1024xf32, #tpu.memory_space<vmem>>, vector<1x16xf32>,
      %get3A_739 = vector.shape_cast %get3A_738 : vector<1x16xf32> to vector<16xf32>
      %broadcast_in_dim3A_740 = arith.constant 7 : i32
      %broadcast_in_dim3A_741 = vector.broadcast %broadcast_in_dim3A_740 : i32 to vector<16xi32>
      %gt3A_742 = arith.cmpf ogt, %get3A_739, %select_n3A_733 : vector<16xf32>
      %gt3A_743 = arith.cmpf ogt, %get3A_739, %select_n3A_730 : vector<16xf32>
      %select_n3A_744 = arith.select %gt3A_743, %get3A_739, %select_n3A_730 : vector<16xi1>, vector<16xf32>
      %select_n3A_745 = arith.select %gt3A_742, %select_n3A_733, %select_n3A_744 : vector<16xi1>, vector<16xf32>
      %select_n3A_746 = arith.select %gt3A_743, %broadcast_in_dim3A_741, %select_n3A_732 : vector<16xi1>, vector<16xi32>
      %select_n3A_747 = arith.select %gt3A_742, %select_n3A_734, %select_n3A_746 : vector<16xi1>, vector<16xi32>
      %select_n3A_748 = arith.select %gt3A_742, %get3A_739, %select_n3A_733 : vector<16xi1>, vector<16xf32>
      %select_n3A_749 = arith.select %gt3A_742, %broadcast_in_dim3A_741, %select_n3A_734 : vector<16xi1>, vector<16xi32>
      %add3A_750 = arith.addf %select_n3A_639, %select_n3A_748 : vector<16xf32>
      %add3A_751 = arith.addf %select_n3A_639, %select_n3A_745 : vector<16xf32>
      %add3A_752 = arith.addf %select_n3A_636, %select_n3A_748 : vector<16xf32>
      %ge3A_753 = arith.cmpf oge, %add3A_751, %add3A_752 : vector<16xf32>
      %select_n3A_754 = arith.select %ge3A_753, %add3A_751, %add3A_752 : vector<16xi1>, vector<16xf32>
      %select_n3A_755 = arith.select %ge3A_753, %select_n3A_640, %select_n3A_638 : vector<16xi1>, vector<16xi32>
      %select_n3A_756 = arith.select %ge3A_753, %select_n3A_747, %select_n3A_749 : vector<16xi1>, vector<16xi32>
      %mul3A_757 = arith.constant 8 : i32
      %mul3A_758 = vector.broadcast %mul3A_757 : i32 to vector<16xi32>
      %mul3A_759 = arith.muli %select_n3A_640, %mul3A_758 : vector<16xi32>
      %add3A_760 = arith.addi %mul3A_759, %select_n3A_749 : vector<16xi32>
      %mul3A_761 = arith.constant 8 : i32
      %mul3A_762 = vector.broadcast %mul3A_761 : i32 to vector<16xi32>
      %mul3A_763 = arith.muli %select_n3A_755, %mul3A_762 : vector<16xi32>
      %add3A_764 = arith.addi %mul3A_763, %select_n3A_756 : vector<16xi32>
      %sub3A_765 = arith.subf %select_n3A_754, %add3A_750 : vector<16xf32>
      %exp3A_766 = math.exp %sub3A_765 : vector<16xf32>
      %add3A_767 = arith.constant 1.000000e+00 : f32
      %add3A_768 = vector.broadcast %add3A_767 : f32 to vector<16xf32>
      %add3A_769 = arith.addf %exp3A_766, %add3A_768 : vector<16xf32>
      %div3A_770 = arith.constant 1.000000e+00 : f32
      %div3A_771 = vector.broadcast %div3A_770 : f32 to vector<16xf32>
      %div3A_772 = arith.divf %div3A_771, %add3A_769 : vector<16xf32>
      %div3A_773 = arith.divf %exp3A_766, %add3A_769 : vector<16xf32>
      %swap3A_774 = arith.constant 4 : i32
      %swap3A_775 = arith.index_cast %swap3A_774 : i32 to index
      %swap3A_776 = arith.index_cast %mul3A_8 : i32 to index
      %swap3A_777 = tpu.vector_load %arg6[%swap3A_775, %swap3A_776] {strides = array<i32>} : memref<8x1024xf32, #tpu.memory_space<vmem>>, vector<1x16xf32>,
      %swap3A_778 = vector.shape_cast %swap3A_777 : vector<1x16xf32> to vector<16xf32>
      %swap3A_779 = vector.shape_cast %div3A_772 : vector<16xf32> to vector<1x16xf32>
      tpu.vector_store %arg6[%swap3A_775, %swap3A_776], %swap3A_779 {strides = array<i32>} : memref<8x1024xf32, #tpu.memory_space<vmem>>, vector<1x16xf32>,
      %swap3A_780 = arith.constant 5 : i32
      %swap3A_781 = arith.index_cast %swap3A_780 : i32 to index
      %swap3A_782 = arith.index_cast %mul3A_8 : i32 to index
      %swap3A_783 = tpu.vector_load %arg6[%swap3A_781, %swap3A_782] {strides = array<i32>} : memref<8x1024xf32, #tpu.memory_space<vmem>>, vector<1x16xf32>,
      %swap3A_784 = vector.shape_cast %swap3A_783 : vector<1x16xf32> to vector<16xf32>
      %swap3A_785 = vector.shape_cast %div3A_773 : vector<16xf32> to vector<1x16xf32>
      tpu.vector_store %arg6[%swap3A_781, %swap3A_782], %swap3A_785 {strides = array<i32>} : memref<8x1024xf32, #tpu.memory_space<vmem>>, vector<1x16xf32>,
      %swap3A_786 = arith.constant 4 : i32
      %swap3A_787 = arith.index_cast %swap3A_786 : i32 to index
      %swap3A_788 = arith.index_cast %mul3A_8 : i32 to index
      %swap3A_789 = tpu.vector_load %arg7[%swap3A_787, %swap3A_788] {strides = array<i32>} : memref<8x1024xi32, #tpu.memory_space<vmem>>, vector<1x16xi32>,
      %swap3A_790 = vector.shape_cast %swap3A_789 : vector<1x16xi32> to vector<16xi32>
      %swap3A_791 = vector.shape_cast %add3A_760 : vector<16xi32> to vector<1x16xi32>
      tpu.vector_store %arg7[%swap3A_787, %swap3A_788], %swap3A_791 {strides = array<i32>} : memref<8x1024xi32, #tpu.memory_space<vmem>>, vector<1x16xi32>,
      %swap3A_792 = arith.constant 5 : i32
      %swap3A_793 = arith.index_cast %swap3A_792 : i32 to index
      %swap3A_794 = arith.index_cast %mul3A_8 : i32 to index
      %swap3A_795 = tpu.vector_load %arg7[%swap3A_793, %swap3A_794] {strides = array<i32>} : memref<8x1024xi32, #tpu.memory_space<vmem>>, vector<1x16xi32>,
      %swap3A_796 = vector.shape_cast %swap3A_795 : vector<1x16xi32> to vector<16xi32>
      %swap3A_797 = vector.shape_cast %add3A_764 : vector<16xi32> to vector<1x16xi32>
      tpu.vector_store %arg7[%swap3A_793, %swap3A_794], %swap3A_797 {strides = array<i32>} : memref<8x1024xi32, #tpu.memory_space<vmem>>, vector<1x16xi32>,
      %get3A_798 = arith.constant 48 : i32
      %get3A_799 = arith.index_cast %get3A_798 : i32 to index
      %get3A_800 = arith.index_cast %mul3A_8 : i32 to index
      %get3A_801 = tpu.vector_load %arg5[%get3A_799, %get3A_800] {strides = array<i32>} : memref<64x1024xf32, #tpu.memory_space<vmem>>, vector<1x16xf32>,
      %get3A_802 = vector.shape_cast %get3A_801 : vector<1x16xf32> to vector<16xf32>
      %get3A_803 = arith.constant 49 : i32
      %get3A_804 = arith.index_cast %get3A_803 : i32 to index
      %get3A_805 = arith.index_cast %mul3A_8 : i32 to index
      %get3A_806 = tpu.vector_load %arg5[%get3A_804, %get3A_805] {strides = array<i32>} : memref<64x1024xf32, #tpu.memory_space<vmem>>, vector<1x16xf32>,
      %get3A_807 = vector.shape_cast %get3A_806 : vector<1x16xf32> to vector<16xf32>
      %broadcast_in_dim3A_808 = arith.constant 0 : i32
      %broadcast_in_dim3A_809 = vector.broadcast %broadcast_in_dim3A_808 : i32 to vector<16xi32>
      %broadcast_in_dim3A_810 = arith.constant 1 : i32
      %broadcast_in_dim3A_811 = vector.broadcast %broadcast_in_dim3A_810 : i32 to vector<16xi32>
      %gt3A_812 = arith.cmpf ogt, %get3A_807, %get3A_802 : vector<16xf32>
      %select_n3A_813 = arith.select %gt3A_812, %get3A_807, %get3A_802 : vector<16xi1>, vector<16xf32>
      %select_n3A_814 = arith.select %gt3A_812, %broadcast_in_dim3A_811, %broadcast_in_dim3A_809 : vector<16xi1>, vector<16xi32>
      %select_n3A_815 = arith.select %gt3A_812, %get3A_802, %get3A_807 : vector<16xi1>, vector<16xf32>
      %select_n3A_816 = arith.select %gt3A_812, %broadcast_in_dim3A_809, %broadcast_in_dim3A_811 : vector<16xi1>, vector<16xi32>
      %get3A_817 = arith.constant 50 : i32
      %get3A_818 = arith.index_cast %get3A_817 : i32 to index
      %get3A_819 = arith.index_cast %mul3A_8 : i32 to index
      %get3A_820 = tpu.vector_load %arg5[%get3A_818, %get3A_819] {strides = array<i32>} : memref<64x1024xf32, #tpu.memory_space<vmem>>, vector<1x16xf32>,
      %get3A_821 = vector.shape_cast %get3A_820 : vector<1x16xf32> to vector<16xf32>
      %broadcast_in_dim3A_822 = arith.constant 2 : i32
      %broadcast_in_dim3A_823 = vector.broadcast %broadcast_in_dim3A_822 : i32 to vector<16xi32>
      %gt3A_824 = arith.cmpf ogt, %get3A_821, %select_n3A_813 : vector<16xf32>
      %gt3A_825 = arith.cmpf ogt, %get3A_821, %select_n3A_815 : vector<16xf32>
      %select_n3A_826 = arith.select %gt3A_825, %get3A_821, %select_n3A_815 : vector<16xi1>, vector<16xf32>
      %select_n3A_827 = arith.select %gt3A_824, %select_n3A_813, %select_n3A_826 : vector<16xi1>, vector<16xf32>
      %select_n3A_828 = arith.select %gt3A_825, %broadcast_in_dim3A_823, %select_n3A_816 : vector<16xi1>, vector<16xi32>
      %select_n3A_829 = arith.select %gt3A_824, %select_n3A_814, %select_n3A_828 : vector<16xi1>, vector<16xi32>
      %select_n3A_830 = arith.select %gt3A_824, %get3A_821, %select_n3A_813 : vector<16xi1>, vector<16xf32>
      %select_n3A_831 = arith.select %gt3A_824, %broadcast_in_dim3A_823, %select_n3A_814 : vector<16xi1>, vector<16xi32>
      %get3A_832 = arith.constant 51 : i32
      %get3A_833 = arith.index_cast %get3A_832 : i32 to index
      %get3A_834 = arith.index_cast %mul3A_8 : i32 to index
      %get3A_835 = tpu.vector_load %arg5[%get3A_833, %get3A_834] {strides = array<i32>} : memref<64x1024xf32, #tpu.memory_space<vmem>>, vector<1x16xf32>,
      %get3A_836 = vector.shape_cast %get3A_835 : vector<1x16xf32> to vector<16xf32>
      %broadcast_in_dim3A_837 = arith.constant 3 : i32
      %broadcast_in_dim3A_838 = vector.broadcast %broadcast_in_dim3A_837 : i32 to vector<16xi32>
      %gt3A_839 = arith.cmpf ogt, %get3A_836, %select_n3A_830 : vector<16xf32>
      %gt3A_840 = arith.cmpf ogt, %get3A_836, %select_n3A_827 : vector<16xf32>
      %select_n3A_841 = arith.select %gt3A_840, %get3A_836, %select_n3A_827 : vector<16xi1>, vector<16xf32>
      %select_n3A_842 = arith.select %gt3A_839, %select_n3A_830, %select_n3A_841 : vector<16xi1>, vector<16xf32>
      %select_n3A_843 = arith.select %gt3A_840, %broadcast_in_dim3A_838, %select_n3A_829 : vector<16xi1>, vector<16xi32>
      %select_n3A_844 = arith.select %gt3A_839, %select_n3A_831, %select_n3A_843 : vector<16xi1>, vector<16xi32>
      %select_n3A_845 = arith.select %gt3A_839, %get3A_836, %select_n3A_830 : vector<16xi1>, vector<16xf32>
      %select_n3A_846 = arith.select %gt3A_839, %broadcast_in_dim3A_838, %select_n3A_831 : vector<16xi1>, vector<16xi32>
      %get3A_847 = arith.constant 52 : i32
      %get3A_848 = arith.index_cast %get3A_847 : i32 to index
      %get3A_849 = arith.index_cast %mul3A_8 : i32 to index
      %get3A_850 = tpu.vector_load %arg5[%get3A_848, %get3A_849] {strides = array<i32>} : memref<64x1024xf32, #tpu.memory_space<vmem>>, vector<1x16xf32>,
      %get3A_851 = vector.shape_cast %get3A_850 : vector<1x16xf32> to vector<16xf32>
      %broadcast_in_dim3A_852 = arith.constant 4 : i32
      %broadcast_in_dim3A_853 = vector.broadcast %broadcast_in_dim3A_852 : i32 to vector<16xi32>
      %gt3A_854 = arith.cmpf ogt, %get3A_851, %select_n3A_845 : vector<16xf32>
      %gt3A_855 = arith.cmpf ogt, %get3A_851, %select_n3A_842 : vector<16xf32>
      %select_n3A_856 = arith.select %gt3A_855, %get3A_851, %select_n3A_842 : vector<16xi1>, vector<16xf32>
      %select_n3A_857 = arith.select %gt3A_854, %select_n3A_845, %select_n3A_856 : vector<16xi1>, vector<16xf32>
      %select_n3A_858 = arith.select %gt3A_855, %broadcast_in_dim3A_853, %select_n3A_844 : vector<16xi1>, vector<16xi32>
      %select_n3A_859 = arith.select %gt3A_854, %select_n3A_846, %select_n3A_858 : vector<16xi1>, vector<16xi32>
      %select_n3A_860 = arith.select %gt3A_854, %get3A_851, %select_n3A_845 : vector<16xi1>, vector<16xf32>
      %select_n3A_861 = arith.select %gt3A_854, %broadcast_in_dim3A_853, %select_n3A_846 : vector<16xi1>, vector<16xi32>
      %get3A_862 = arith.constant 53 : i32
      %get3A_863 = arith.index_cast %get3A_862 : i32 to index
      %get3A_864 = arith.index_cast %mul3A_8 : i32 to index
      %get3A_865 = tpu.vector_load %arg5[%get3A_863, %get3A_864] {strides = array<i32>} : memref<64x1024xf32, #tpu.memory_space<vmem>>, vector<1x16xf32>,
      %get3A_866 = vector.shape_cast %get3A_865 : vector<1x16xf32> to vector<16xf32>
      %broadcast_in_dim3A_867 = arith.constant 5 : i32
      %broadcast_in_dim3A_868 = vector.broadcast %broadcast_in_dim3A_867 : i32 to vector<16xi32>
      %gt3A_869 = arith.cmpf ogt, %get3A_866, %select_n3A_860 : vector<16xf32>
      %gt3A_870 = arith.cmpf ogt, %get3A_866, %select_n3A_857 : vector<16xf32>
      %select_n3A_871 = arith.select %gt3A_870, %get3A_866, %select_n3A_857 : vector<16xi1>, vector<16xf32>
      %select_n3A_872 = arith.select %gt3A_869, %select_n3A_860, %select_n3A_871 : vector<16xi1>, vector<16xf32>
      %select_n3A_873 = arith.select %gt3A_870, %broadcast_in_dim3A_868, %select_n3A_859 : vector<16xi1>, vector<16xi32>
      %select_n3A_874 = arith.select %gt3A_869, %select_n3A_861, %select_n3A_873 : vector<16xi1>, vector<16xi32>
      %select_n3A_875 = arith.select %gt3A_869, %get3A_866, %select_n3A_860 : vector<16xi1>, vector<16xf32>
      %select_n3A_876 = arith.select %gt3A_869, %broadcast_in_dim3A_868, %select_n3A_861 : vector<16xi1>, vector<16xi32>
      %get3A_877 = arith.constant 54 : i32
      %get3A_878 = arith.index_cast %get3A_877 : i32 to index
      %get3A_879 = arith.index_cast %mul3A_8 : i32 to index
      %get3A_880 = tpu.vector_load %arg5[%get3A_878, %get3A_879] {strides = array<i32>} : memref<64x1024xf32, #tpu.memory_space<vmem>>, vector<1x16xf32>,
      %get3A_881 = vector.shape_cast %get3A_880 : vector<1x16xf32> to vector<16xf32>
      %broadcast_in_dim3A_882 = arith.constant 6 : i32
      %broadcast_in_dim3A_883 = vector.broadcast %broadcast_in_dim3A_882 : i32 to vector<16xi32>
      %gt3A_884 = arith.cmpf ogt, %get3A_881, %select_n3A_875 : vector<16xf32>
      %gt3A_885 = arith.cmpf ogt, %get3A_881, %select_n3A_872 : vector<16xf32>
      %select_n3A_886 = arith.select %gt3A_885, %get3A_881, %select_n3A_872 : vector<16xi1>, vector<16xf32>
      %select_n3A_887 = arith.select %gt3A_884, %select_n3A_875, %select_n3A_886 : vector<16xi1>, vector<16xf32>
      %select_n3A_888 = arith.select %gt3A_885, %broadcast_in_dim3A_883, %select_n3A_874 : vector<16xi1>, vector<16xi32>
      %select_n3A_889 = arith.select %gt3A_884, %select_n3A_876, %select_n3A_888 : vector<16xi1>, vector<16xi32>
      %select_n3A_890 = arith.select %gt3A_884, %get3A_881, %select_n3A_875 : vector<16xi1>, vector<16xf32>
      %select_n3A_891 = arith.select %gt3A_884, %broadcast_in_dim3A_883, %select_n3A_876 : vector<16xi1>, vector<16xi32>
      %get3A_892 = arith.constant 55 : i32
      %get3A_893 = arith.index_cast %get3A_892 : i32 to index
      %get3A_894 = arith.index_cast %mul3A_8 : i32 to index
      %get3A_895 = tpu.vector_load %arg5[%get3A_893, %get3A_894] {strides = array<i32>} : memref<64x1024xf32, #tpu.memory_space<vmem>>, vector<1x16xf32>,
      %get3A_896 = vector.shape_cast %get3A_895 : vector<1x16xf32> to vector<16xf32>
      %broadcast_in_dim3A_897 = arith.constant 7 : i32
      %broadcast_in_dim3A_898 = vector.broadcast %broadcast_in_dim3A_897 : i32 to vector<16xi32>
      %gt3A_899 = arith.cmpf ogt, %get3A_896, %select_n3A_890 : vector<16xf32>
      %gt3A_900 = arith.cmpf ogt, %get3A_896, %select_n3A_887 : vector<16xf32>
      %select_n3A_901 = arith.select %gt3A_900, %get3A_896, %select_n3A_887 : vector<16xi1>, vector<16xf32>
      %select_n3A_902 = arith.select %gt3A_899, %select_n3A_890, %select_n3A_901 : vector<16xi1>, vector<16xf32>
      %select_n3A_903 = arith.select %gt3A_900, %broadcast_in_dim3A_898, %select_n3A_889 : vector<16xi1>, vector<16xi32>
      %select_n3A_904 = arith.select %gt3A_899, %select_n3A_891, %select_n3A_903 : vector<16xi1>, vector<16xi32>
      %select_n3A_905 = arith.select %gt3A_899, %get3A_896, %select_n3A_890 : vector<16xi1>, vector<16xf32>
      %select_n3A_906 = arith.select %gt3A_899, %broadcast_in_dim3A_898, %select_n3A_891 : vector<16xi1>, vector<16xi32>
      %get3A_907 = arith.constant 56 : i32
      %get3A_908 = arith.index_cast %get3A_907 : i32 to index
      %get3A_909 = arith.index_cast %mul3A_8 : i32 to index
      %get3A_910 = tpu.vector_load %arg5[%get3A_908, %get3A_909] {strides = array<i32>} : memref<64x1024xf32, #tpu.memory_space<vmem>>, vector<1x16xf32>,
      %get3A_911 = vector.shape_cast %get3A_910 : vector<1x16xf32> to vector<16xf32>
      %get3A_912 = arith.constant 57 : i32
      %get3A_913 = arith.index_cast %get3A_912 : i32 to index
      %get3A_914 = arith.index_cast %mul3A_8 : i32 to index
      %get3A_915 = tpu.vector_load %arg5[%get3A_913, %get3A_914] {strides = array<i32>} : memref<64x1024xf32, #tpu.memory_space<vmem>>, vector<1x16xf32>,
      %get3A_916 = vector.shape_cast %get3A_915 : vector<1x16xf32> to vector<16xf32>
      %broadcast_in_dim3A_917 = arith.constant 0 : i32
      %broadcast_in_dim3A_918 = vector.broadcast %broadcast_in_dim3A_917 : i32 to vector<16xi32>
      %broadcast_in_dim3A_919 = arith.constant 1 : i32
      %broadcast_in_dim3A_920 = vector.broadcast %broadcast_in_dim3A_919 : i32 to vector<16xi32>
      %gt3A_921 = arith.cmpf ogt, %get3A_916, %get3A_911 : vector<16xf32>
      %select_n3A_922 = arith.select %gt3A_921, %get3A_916, %get3A_911 : vector<16xi1>, vector<16xf32>
      %select_n3A_923 = arith.select %gt3A_921, %broadcast_in_dim3A_920, %broadcast_in_dim3A_918 : vector<16xi1>, vector<16xi32>
      %select_n3A_924 = arith.select %gt3A_921, %get3A_911, %get3A_916 : vector<16xi1>, vector<16xf32>
      %select_n3A_925 = arith.select %gt3A_921, %broadcast_in_dim3A_918, %broadcast_in_dim3A_920 : vector<16xi1>, vector<16xi32>
      %get3A_926 = arith.constant 58 : i32
      %get3A_927 = arith.index_cast %get3A_926 : i32 to index
      %get3A_928 = arith.index_cast %mul3A_8 : i32 to index
      %get3A_929 = tpu.vector_load %arg5[%get3A_927, %get3A_928] {strides = array<i32>} : memref<64x1024xf32, #tpu.memory_space<vmem>>, vector<1x16xf32>,
      %get3A_930 = vector.shape_cast %get3A_929 : vector<1x16xf32> to vector<16xf32>
      %broadcast_in_dim3A_931 = arith.constant 2 : i32
      %broadcast_in_dim3A_932 = vector.broadcast %broadcast_in_dim3A_931 : i32 to vector<16xi32>
      %gt3A_933 = arith.cmpf ogt, %get3A_930, %select_n3A_922 : vector<16xf32>
      %gt3A_934 = arith.cmpf ogt, %get3A_930, %select_n3A_924 : vector<16xf32>
      %select_n3A_935 = arith.select %gt3A_934, %get3A_930, %select_n3A_924 : vector<16xi1>, vector<16xf32>
      %select_n3A_936 = arith.select %gt3A_933, %select_n3A_922, %select_n3A_935 : vector<16xi1>, vector<16xf32>
      %select_n3A_937 = arith.select %gt3A_934, %broadcast_in_dim3A_932, %select_n3A_925 : vector<16xi1>, vector<16xi32>
      %select_n3A_938 = arith.select %gt3A_933, %select_n3A_923, %select_n3A_937 : vector<16xi1>, vector<16xi32>
      %select_n3A_939 = arith.select %gt3A_933, %get3A_930, %select_n3A_922 : vector<16xi1>, vector<16xf32>
      %select_n3A_940 = arith.select %gt3A_933, %broadcast_in_dim3A_932, %select_n3A_923 : vector<16xi1>, vector<16xi32>
      %get3A_941 = arith.constant 59 : i32
      %get3A_942 = arith.index_cast %get3A_941 : i32 to index
      %get3A_943 = arith.index_cast %mul3A_8 : i32 to index
      %get3A_944 = tpu.vector_load %arg5[%get3A_942, %get3A_943] {strides = array<i32>} : memref<64x1024xf32, #tpu.memory_space<vmem>>, vector<1x16xf32>,
      %get3A_945 = vector.shape_cast %get3A_944 : vector<1x16xf32> to vector<16xf32>
      %broadcast_in_dim3A_946 = arith.constant 3 : i32
      %broadcast_in_dim3A_947 = vector.broadcast %broadcast_in_dim3A_946 : i32 to vector<16xi32>
      %gt3A_948 = arith.cmpf ogt, %get3A_945, %select_n3A_939 : vector<16xf32>
      %gt3A_949 = arith.cmpf ogt, %get3A_945, %select_n3A_936 : vector<16xf32>
      %select_n3A_950 = arith.select %gt3A_949, %get3A_945, %select_n3A_936 : vector<16xi1>, vector<16xf32>
      %select_n3A_951 = arith.select %gt3A_948, %select_n3A_939, %select_n3A_950 : vector<16xi1>, vector<16xf32>
      %select_n3A_952 = arith.select %gt3A_949, %broadcast_in_dim3A_947, %select_n3A_938 : vector<16xi1>, vector<16xi32>
      %select_n3A_953 = arith.select %gt3A_948, %select_n3A_940, %select_n3A_952 : vector<16xi1>, vector<16xi32>
      %select_n3A_954 = arith.select %gt3A_948, %get3A_945, %select_n3A_939 : vector<16xi1>, vector<16xf32>
      %select_n3A_955 = arith.select %gt3A_948, %broadcast_in_dim3A_947, %select_n3A_940 : vector<16xi1>, vector<16xi32>
      %get3A_956 = arith.constant 60 : i32
      %get3A_957 = arith.index_cast %get3A_956 : i32 to index
      %get3A_958 = arith.index_cast %mul3A_8 : i32 to index
      %get3A_959 = tpu.vector_load %arg5[%get3A_957, %get3A_958] {strides = array<i32>} : memref<64x1024xf32, #tpu.memory_space<vmem>>, vector<1x16xf32>,
      %get3A_960 = vector.shape_cast %get3A_959 : vector<1x16xf32> to vector<16xf32>
      %broadcast_in_dim3A_961 = arith.constant 4 : i32
      %broadcast_in_dim3A_962 = vector.broadcast %broadcast_in_dim3A_961 : i32 to vector<16xi32>
      %gt3A_963 = arith.cmpf ogt, %get3A_960, %select_n3A_954 : vector<16xf32>
      %gt3A_964 = arith.cmpf ogt, %get3A_960, %select_n3A_951 : vector<16xf32>
      %select_n3A_965 = arith.select %gt3A_964, %get3A_960, %select_n3A_951 : vector<16xi1>, vector<16xf32>
      %select_n3A_966 = arith.select %gt3A_963, %select_n3A_954, %select_n3A_965 : vector<16xi1>, vector<16xf32>
      %select_n3A_967 = arith.select %gt3A_964, %broadcast_in_dim3A_962, %select_n3A_953 : vector<16xi1>, vector<16xi32>
      %select_n3A_968 = arith.select %gt3A_963, %select_n3A_955, %select_n3A_967 : vector<16xi1>, vector<16xi32>
      %select_n3A_969 = arith.select %gt3A_963, %get3A_960, %select_n3A_954 : vector<16xi1>, vector<16xf32>
      %select_n3A_970 = arith.select %gt3A_963, %broadcast_in_dim3A_962, %select_n3A_955 : vector<16xi1>, vector<16xi32>
      %get3A_971 = arith.constant 61 : i32
      %get3A_972 = arith.index_cast %get3A_971 : i32 to index
      %get3A_973 = arith.index_cast %mul3A_8 : i32 to index
      %get3A_974 = tpu.vector_load %arg5[%get3A_972, %get3A_973] {strides = array<i32>} : memref<64x1024xf32, #tpu.memory_space<vmem>>, vector<1x16xf32>,
      %get3A_975 = vector.shape_cast %get3A_974 : vector<1x16xf32> to vector<16xf32>
      %broadcast_in_dim3A_976 = arith.constant 5 : i32
      %broadcast_in_dim3A_977 = vector.broadcast %broadcast_in_dim3A_976 : i32 to vector<16xi32>
      %gt3A_978 = arith.cmpf ogt, %get3A_975, %select_n3A_969 : vector<16xf32>
      %gt3A_979 = arith.cmpf ogt, %get3A_975, %select_n3A_966 : vector<16xf32>
      %select_n3A_980 = arith.select %gt3A_979, %get3A_975, %select_n3A_966 : vector<16xi1>, vector<16xf32>
      %select_n3A_981 = arith.select %gt3A_978, %select_n3A_969, %select_n3A_980 : vector<16xi1>, vector<16xf32>
      %select_n3A_982 = arith.select %gt3A_979, %broadcast_in_dim3A_977, %select_n3A_968 : vector<16xi1>, vector<16xi32>
      %select_n3A_983 = arith.select %gt3A_978, %select_n3A_970, %select_n3A_982 : vector<16xi1>, vector<16xi32>
      %select_n3A_984 = arith.select %gt3A_978, %get3A_975, %select_n3A_969 : vector<16xi1>, vector<16xf32>
      %select_n3A_985 = arith.select %gt3A_978, %broadcast_in_dim3A_977, %select_n3A_970 : vector<16xi1>, vector<16xi32>
      %get3A_986 = arith.constant 62 : i32
      %get3A_987 = arith.index_cast %get3A_986 : i32 to index
      %get3A_988 = arith.index_cast %mul3A_8 : i32 to index
      %get3A_989 = tpu.vector_load %arg5[%get3A_987, %get3A_988] {strides = array<i32>} : memref<64x1024xf32, #tpu.memory_space<vmem>>, vector<1x16xf32>,
      %get3A_990 = vector.shape_cast %get3A_989 : vector<1x16xf32> to vector<16xf32>
      %broadcast_in_dim3A_991 = arith.constant 6 : i32
      %broadcast_in_dim3A_992 = vector.broadcast %broadcast_in_dim3A_991 : i32 to vector<16xi32>
      %gt3A_993 = arith.cmpf ogt, %get3A_990, %select_n3A_984 : vector<16xf32>
      %gt3A_994 = arith.cmpf ogt, %get3A_990, %select_n3A_981 : vector<16xf32>
      %select_n3A_995 = arith.select %gt3A_994, %get3A_990, %select_n3A_981 : vector<16xi1>, vector<16xf32>
      %select_n3A_996 = arith.select %gt3A_993, %select_n3A_984, %select_n3A_995 : vector<16xi1>, vector<16xf32>
      %select_n3A_997 = arith.select %gt3A_994, %broadcast_in_dim3A_992, %select_n3A_983 : vector<16xi1>, vector<16xi32>
      %select_n3A_998 = arith.select %gt3A_993, %select_n3A_985, %select_n3A_997 : vector<16xi1>, vector<16xi32>
      %select_n3A_999 = arith.select %gt3A_993, %get3A_990, %select_n3A_984 : vector<16xi1>, vector<16xf32>
      %select_n3A_1000 = arith.select %gt3A_993, %broadcast_in_dim3A_992, %select_n3A_985 : vector<16xi1>, vector<16xi32>
      %get3A_1001 = arith.constant 63 : i32
      %get3A_1002 = arith.index_cast %get3A_1001 : i32 to index
      %get3A_1003 = arith.index_cast %mul3A_8 : i32 to index
      %get3A_1004 = tpu.vector_load %arg5[%get3A_1002, %get3A_1003] {strides = array<i32>} : memref<64x1024xf32, #tpu.memory_space<vmem>>, vector<1x16xf32>,
      %get3A_1005 = vector.shape_cast %get3A_1004 : vector<1x16xf32> to vector<16xf32>
      %broadcast_in_dim3A_1006 = arith.constant 7 : i32
      %broadcast_in_dim3A_1007 = vector.broadcast %broadcast_in_dim3A_1006 : i32 to vector<16xi32>
      %gt3A_1008 = arith.cmpf ogt, %get3A_1005, %select_n3A_999 : vector<16xf32>
      %gt3A_1009 = arith.cmpf ogt, %get3A_1005, %select_n3A_996 : vector<16xf32>
      %select_n3A_1010 = arith.select %gt3A_1009, %get3A_1005, %select_n3A_996 : vector<16xi1>, vector<16xf32>
      %select_n3A_1011 = arith.select %gt3A_1008, %select_n3A_999, %select_n3A_1010 : vector<16xi1>, vector<16xf32>
      %select_n3A_1012 = arith.select %gt3A_1009, %broadcast_in_dim3A_1007, %select_n3A_998 : vector<16xi1>, vector<16xi32>
      %select_n3A_1013 = arith.select %gt3A_1008, %select_n3A_1000, %select_n3A_1012 : vector<16xi1>, vector<16xi32>
      %select_n3A_1014 = arith.select %gt3A_1008, %get3A_1005, %select_n3A_999 : vector<16xi1>, vector<16xf32>
      %select_n3A_1015 = arith.select %gt3A_1008, %broadcast_in_dim3A_1007, %select_n3A_1000 : vector<16xi1>, vector<16xi32>
      %add3A_1016 = arith.addf %select_n3A_905, %select_n3A_1014 : vector<16xf32>
      %add3A_1017 = arith.addf %select_n3A_905, %select_n3A_1011 : vector<16xf32>
      %add3A_1018 = arith.addf %select_n3A_902, %select_n3A_1014 : vector<16xf32>
      %ge3A_1019 = arith.cmpf oge, %add3A_1017, %add3A_1018 : vector<16xf32>
      %select_n3A_1020 = arith.select %ge3A_1019, %add3A_1017, %add3A_1018 : vector<16xi1>, vector<16xf32>
      %select_n3A_1021 = arith.select %ge3A_1019, %select_n3A_906, %select_n3A_904 : vector<16xi1>, vector<16xi32>
      %select_n3A_1022 = arith.select %ge3A_1019, %select_n3A_1013, %select_n3A_1015 : vector<16xi1>, vector<16xi32>
      %mul3A_1023 = arith.constant 8 : i32
      %mul3A_1024 = vector.broadcast %mul3A_1023 : i32 to vector<16xi32>
      %mul3A_1025 = arith.muli %select_n3A_906, %mul3A_1024 : vector<16xi32>
      %add3A_1026 = arith.addi %mul3A_1025, %select_n3A_1015 : vector<16xi32>
      %mul3A_1027 = arith.constant 8 : i32
      %mul3A_1028 = vector.broadcast %mul3A_1027 : i32 to vector<16xi32>
      %mul3A_1029 = arith.muli %select_n3A_1021, %mul3A_1028 : vector<16xi32>
      %add3A_1030 = arith.addi %mul3A_1029, %select_n3A_1022 : vector<16xi32>
      %sub3A_1031 = arith.subf %select_n3A_1020, %add3A_1016 : vector<16xf32>
      %exp3A_1032 = math.exp %sub3A_1031 : vector<16xf32>
      %add3A_1033 = arith.constant 1.000000e+00 : f32
      %add3A_1034 = vector.broadcast %add3A_1033 : f32 to vector<16xf32>
      %add3A_1035 = arith.addf %exp3A_1032, %add3A_1034 : vector<16xf32>
      %div3A_1036 = arith.constant 1.000000e+00 : f32
      %div3A_1037 = vector.broadcast %div3A_1036 : f32 to vector<16xf32>
      %div3A_1038 = arith.divf %div3A_1037, %add3A_1035 : vector<16xf32>
      %div3A_1039 = arith.divf %exp3A_1032, %add3A_1035 : vector<16xf32>
      %swap3A_1040 = arith.constant 6 : i32
      %swap3A_1041 = arith.index_cast %swap3A_1040 : i32 to index
      %swap3A_1042 = arith.index_cast %mul3A_8 : i32 to index
      %swap3A_1043 = tpu.vector_load %arg6[%swap3A_1041, %swap3A_1042] {strides = array<i32>} : memref<8x1024xf32, #tpu.memory_space<vmem>>, vector<1x16xf32>,
      %swap3A_1044 = vector.shape_cast %swap3A_1043 : vector<1x16xf32> to vector<16xf32>
      %swap3A_1045 = vector.shape_cast %div3A_1038 : vector<16xf32> to vector<1x16xf32>
      tpu.vector_store %arg6[%swap3A_1041, %swap3A_1042], %swap3A_1045 {strides = array<i32>} : memref<8x1024xf32, #tpu.memory_space<vmem>>, vector<1x16xf32>,
      %swap3A_1046 = arith.constant 7 : i32
      %swap3A_1047 = arith.index_cast %swap3A_1046 : i32 to index
      %swap3A_1048 = arith.index_cast %mul3A_8 : i32 to index
      %swap3A_1049 = tpu.vector_load %arg6[%swap3A_1047, %swap3A_1048] {strides = array<i32>} : memref<8x1024xf32, #tpu.memory_space<vmem>>, vector<1x16xf32>,
      %swap3A_1050 = vector.shape_cast %swap3A_1049 : vector<1x16xf32> to vector<16xf32>
      %swap3A_1051 = vector.shape_cast %div3A_1039 : vector<16xf32> to vector<1x16xf32>
      tpu.vector_store %arg6[%swap3A_1047, %swap3A_1048], %swap3A_1051 {strides = array<i32>} : memref<8x1024xf32, #tpu.memory_space<vmem>>, vector<1x16xf32>,
      %swap3A_1052 = arith.constant 6 : i32
      %swap3A_1053 = arith.index_cast %swap3A_1052 : i32 to index
      %swap3A_1054 = arith.index_cast %mul3A_8 : i32 to index
      %swap3A_1055 = tpu.vector_load %arg7[%swap3A_1053, %swap3A_1054] {strides = array<i32>} : memref<8x1024xi32, #tpu.memory_space<vmem>>, vector<1x16xi32>,
      %swap3A_1056 = vector.shape_cast %swap3A_1055 : vector<1x16xi32> to vector<16xi32>
      %swap3A_1057 = vector.shape_cast %add3A_1026 : vector<16xi32> to vector<1x16xi32>
      tpu.vector_store %arg7[%swap3A_1053, %swap3A_1054], %swap3A_1057 {strides = array<i32>} : memref<8x1024xi32, #tpu.memory_space<vmem>>, vector<1x16xi32>,
      %swap3A_1058 = arith.constant 7 : i32
      %swap3A_1059 = arith.index_cast %swap3A_1058 : i32 to index
      %swap3A_1060 = arith.index_cast %mul3A_8 : i32 to index
      %swap3A_1061 = tpu.vector_load %arg7[%swap3A_1059, %swap3A_1060] {strides = array<i32>} : memref<8x1024xi32, #tpu.memory_space<vmem>>, vector<1x16xi32>,
      %swap3A_1062 = vector.shape_cast %swap3A_1061 : vector<1x16xi32> to vector<16xi32>
      %swap3A_1063 = vector.shape_cast %add3A_1030 : vector<16xi32> to vector<1x16xi32>
      tpu.vector_store %arg7[%swap3A_1059, %swap3A_1060], %swap3A_1063 {strides = array<i32>} : memref<8x1024xi32, #tpu.memory_space<vmem>>, vector<1x16xi32>,
    }
    %scan3A_5 = arith.constant 64 : i32
    "tpu.region"() ({
      %run_scoped3A = tpu.sem_alloc : memref<!tpu.dma_semaphore, #tpu.memory_space<semaphore_mem>>
      %dma_start3A = arith.constant 0 : i32
      %dma_start3A_6 = arith.constant 0 : i32
      %dma_start3A_7 = tpu.memref_slice %arg3[%add3A, %dma_start3A, %dma_start3A_6] : memref<32x8x1024xf32, #tpu.memory_space<hbm>> -> memref<1x8x1024xf32, #tpu.memory_space<hbm>>
      %dma_start3A_8 = tpu.memref_squeeze %dma_start3A_7 : memref<1x8x1024xf32, #tpu.memory_space<hbm>> -> memref<8x1024xf32, #tpu.memory_space<hbm>>
      %dma_start3A_9 = arith.constant 0 : i32
      %dma_start3A_10 = arith.constant 0 : i32
      %dma_start3A_11 = tpu.memref_slice %arg3[%add3A, %dma_start3A_9, %dma_start3A_10] : memref<32x8x1024xf32, #tpu.memory_space<hbm>> -> memref<1x8x1024xf32, #tpu.memory_space<hbm>>
      %dma_start3A_12 = tpu.memref_squeeze %dma_start3A_11 : memref<1x8x1024xf32, #tpu.memory_space<hbm>> -> memref<8x1024xf32, #tpu.memory_space<hbm>>
      tpu.enqueue_dma source(%arg6 : memref<8x1024xf32, #tpu.memory_space<vmem>>) target(%dma_start3A_12 : memref<8x1024xf32, #tpu.memory_space<hbm>>) target_semaphore(%run_scoped3A : memref<!tpu.dma_semaphore, #tpu.memory_space<semaphore_mem>>)
      %dma_wait3A = arith.constant 0 : i32
      %dma_wait3A_13 = arith.constant 0 : i32
      %dma_wait3A_14 = tpu.memref_slice %arg3[%add3A, %dma_wait3A, %dma_wait3A_13] : memref<32x8x1024xf32, #tpu.memory_space<hbm>> -> memref<1x8x1024xf32, #tpu.memory_space<hbm>>
      %dma_wait3A_15 = tpu.memref_squeeze %dma_wait3A_14 : memref<1x8x1024xf32, #tpu.memory_space<hbm>> -> memref<8x1024xf32, #tpu.memory_space<hbm>>
      %dma_wait3A_16 = arith.constant 0 : i32
      %dma_wait3A_17 = arith.constant 0 : i32
      %dma_wait3A_18 = tpu.memref_slice %arg3[%add3A, %dma_wait3A_16, %dma_wait3A_17] : memref<32x8x1024xf32, #tpu.memory_space<hbm>> -> memref<1x8x1024xf32, #tpu.memory_space<hbm>>
      %dma_wait3A_19 = tpu.memref_squeeze %dma_wait3A_18 : memref<1x8x1024xf32, #tpu.memory_space<hbm>> -> memref<8x1024xf32, #tpu.memory_space<hbm>>
      tpu.wait_dma2 semaphore(%run_scoped3A : memref<!tpu.dma_semaphore, #tpu.memory_space<semaphore_mem>>) src(%arg6 : memref<8x1024xf32, #tpu.memory_space<vmem>>) dst(%dma_wait3A_19 : memref<8x1024xf32, #tpu.memory_space<hbm>>)
      tpu.yield
    }) : () -> ()
    "tpu.region"() ({
      %run_scoped3A = tpu.sem_alloc : memref<!tpu.dma_semaphore, #tpu.memory_space<semaphore_mem>>
      %dma_start3A = arith.constant 0 : i32
      %dma_start3A_6 = arith.constant 0 : i32
      %dma_start3A_7 = tpu.memref_slice %arg4[%add3A, %dma_start3A, %dma_start3A_6] : memref<32x8x1024xi32, #tpu.memory_space<hbm>> -> memref<1x8x1024xi32, #tpu.memory_space<hbm>>
      %dma_start3A_8 = tpu.memref_squeeze %dma_start3A_7 : memref<1x8x1024xi32, #tpu.memory_space<hbm>> -> memref<8x1024xi32, #tpu.memory_space<hbm>>
      %dma_start3A_9 = arith.constant 0 : i32
      %dma_start3A_10 = arith.constant 0 : i32
      %dma_start3A_11 = tpu.memref_slice %arg4[%add3A, %dma_start3A_9, %dma_start3A_10] : memref<32x8x1024xi32, #tpu.memory_space<hbm>> -> memref<1x8x1024xi32, #tpu.memory_space<hbm>>
      %dma_start3A_12 = tpu.memref_squeeze %dma_start3A_11 : memref<1x8x1024xi32, #tpu.memory_space<hbm>> -> memref<8x1024xi32, #tpu.memory_space<hbm>>
      tpu.enqueue_dma source(%arg7 : memref<8x1024xi32, #tpu.memory_space<vmem>>) target(%dma_start3A_12 : memref<8x1024xi32, #tpu.memory_space<hbm>>) target_semaphore(%run_scoped3A : memref<!tpu.dma_semaphore, #tpu.memory_space<semaphore_mem>>)
      %dma_wait3A = arith.constant 0 : i32
      %dma_wait3A_13 = arith.constant 0 : i32
      %dma_wait3A_14 = tpu.memref_slice %arg4[%add3A, %dma_wait3A, %dma_wait3A_13] : memref<32x8x1024xi32, #tpu.memory_space<hbm>> -> memref<1x8x1024xi32, #tpu.memory_space<hbm>>
      %dma_wait3A_15 = tpu.memref_squeeze %dma_wait3A_14 : memref<1x8x1024xi32, #tpu.memory_space<hbm>> -> memref<8x1024xi32, #tpu.memory_space<hbm>>
      %dma_wait3A_16 = arith.constant 0 : i32
      %dma_wait3A_17 = arith.constant 0 : i32
      %dma_wait3A_18 = tpu.memref_slice %arg4[%add3A, %dma_wait3A_16, %dma_wait3A_17] : memref<32x8x1024xi32, #tpu.memory_space<hbm>> -> memref<1x8x1024xi32, #tpu.memory_space<hbm>>
      %dma_wait3A_19 = tpu.memref_squeeze %dma_wait3A_18 : memref<1x8x1024xi32, #tpu.memory_space<hbm>> -> memref<8x1024xi32, #tpu.memory_space<hbm>>
      tpu.wait_dma2 semaphore(%run_scoped3A : memref<!tpu.dma_semaphore, #tpu.memory_space<semaphore_mem>>) src(%arg7 : memref<8x1024xi32, #tpu.memory_space<vmem>>) dst(%dma_wait3A_19 : memref<8x1024xi32, #tpu.memory_space<hbm>>)
      tpu.yield
    }) : () -> ()
    return
  }
}

module attributes {stable_mosaic.version = 14 : i64} {
  func.func @_stats_kernel(%arg0: i32, %arg1: memref<1024x768xf32, #tpu.memory_space<vmem>>, %arg2: memref<512x768xf32, #tpu.memory_space<vmem>>, %arg3: memref<1x512xf32, #tpu.memory_space<vmem>>, %arg4: memref<1x512xf32, #tpu.memory_space<vmem>>, %arg5: memref<1x512xf32, #tpu.memory_space<vmem>>, %arg6: memref<1024x512xf32, #tpu.memory_space<vmem>>) attributes {dimension_semantics = [#tpu.dimension_semantics<arbitrary>], iteration_bounds = array<i64: 32>, scalar_prefetch = 0 : i64, scratch_operands = 0 : i64, tpu.core_type = #tpu.core_type<tc>, window_params = [{transform_indices = @transform_0, window_bounds = array<i64: 1024, 768>}, {pipeline_mode = #tpu.pipeline_mode<synchronous>, transform_indices = @transform_1, window_bounds = array<i64: 512, 768>}, {pipeline_mode = #tpu.pipeline_mode<synchronous>, transform_indices = @transform_2, window_bounds = array<i64: 1, 512>}, {pipeline_mode = #tpu.pipeline_mode<synchronous>, transform_indices = @transform_3, window_bounds = array<i64: 1, 512>}, {pipeline_mode = #tpu.pipeline_mode<synchronous>, transform_indices = @transform_4, window_bounds = array<i64: 1, 512>}, {transform_indices = @transform_5, window_bounds = array<i64: 1024, 512>}]} {
    %get3A = arith.constant 0 : index
    %get3A_0 = arith.constant 0 : index
    %get3A_1 = vector.load %arg1[%get3A, %get3A_0] : memref<1024x768xf32, #tpu.memory_space<vmem>>, vector<1024x768xf32>
    %get3A_2 = arith.constant 0 : index
    %get3A_3 = arith.constant 0 : index
    %get3A_4 = vector.load %arg2[%get3A_2, %get3A_3] : memref<512x768xf32, #tpu.memory_space<vmem>>, vector<512x768xf32>
    %dot_general3A = arith.constant dense<0.000000e+00> : vector<1024x512xf32>
    %dot_general3A_5 = tpu.matmul %get3A_1, %get3A_4, %dot_general3A {dimension_numbers = #tpu.dot_dimension_numbers<[1], [1], [0], [0], [0, 0, 1, 0], [], []>, transpose_lhs_hint = false} : vector<1024x768xf32>, vector<512x768xf32>, vector<1024x512xf32> -> vector<1024x512xf32>
    %get3A_6 = arith.constant 0 : index
    %get3A_7 = arith.constant 0 : index
    %get3A_8 = vector.load %arg3[%get3A_6, %get3A_7] : memref<1x512xf32, #tpu.memory_space<vmem>>, vector<1x512xf32>
    %add3A = vector.broadcast %get3A_8 : vector<1x512xf32> to vector<1024x512xf32>
    %add3A_9 = arith.addf %dot_general3A_5, %add3A : vector<1024x512xf32>
    %swap3A = arith.constant 0 : index
    %swap3A_10 = arith.constant 0 : index
    %swap3A_11 = vector.load %arg6[%swap3A, %swap3A_10] : memref<1024x512xf32, #tpu.memory_space<vmem>>, vector<1024x512xf32>
    tpu.vector_store %arg6[%swap3A, %swap3A_10], %add3A_9 {strides = array<i32>} : memref<1024x512xf32, #tpu.memory_space<vmem>>, vector<1024x512xf32>,
    %eq3A = arith.constant 0 : i32
    %eq3A_12 = arith.cmpi eq, %arg0, %eq3A : i32
    %convert_element_type3A = arith.extui %eq3A_12 : i1 to i32
    %cond3A = arith.constant 0 : i32
    %cond3A_13 = arith.cmpi ne, %convert_element_type3A, %cond3A : i32
    scf.if %cond3A_13 {
      %broadcast_in_dim3A_32 = arith.constant 0.000000e+00 : f32
      %broadcast_in_dim3A_33 = vector.broadcast %broadcast_in_dim3A_32 : f32 to vector<1x512xf32>
      %swap3A_34 = arith.constant 0 : index
      %swap3A_35 = arith.constant 0 : index
      %swap3A_36 = vector.load %arg4[%swap3A_34, %swap3A_35] : memref<1x512xf32, #tpu.memory_space<vmem>>, vector<1x512xf32>
      tpu.vector_store %arg4[%swap3A_34, %swap3A_35], %broadcast_in_dim3A_33 {strides = array<i32>} : memref<1x512xf32, #tpu.memory_space<vmem>>, vector<1x512xf32>,
      %broadcast_in_dim3A_37 = arith.constant 0.000000e+00 : f32
      %broadcast_in_dim3A_38 = vector.broadcast %broadcast_in_dim3A_37 : f32 to vector<1x512xf32>
      %swap3A_39 = arith.constant 0 : index
      %swap3A_40 = arith.constant 0 : index
      %swap3A_41 = vector.load %arg5[%swap3A_39, %swap3A_40] : memref<1x512xf32, #tpu.memory_space<vmem>>, vector<1x512xf32>
      tpu.vector_store %arg5[%swap3A_39, %swap3A_40], %broadcast_in_dim3A_38 {strides = array<i32>} : memref<1x512xf32, #tpu.memory_space<vmem>>, vector<1x512xf32>,
    } else {
    }
    %get3A_14 = arith.constant 0 : index
    %get3A_15 = arith.constant 0 : index
    %get3A_16 = vector.load %arg4[%get3A_14, %get3A_15] : memref<1x512xf32, #tpu.memory_space<vmem>>, vector<1x512xf32>
    %reduce_sum3A = arith.constant dense<0.000000e+00> : vector<512xf32>
    %reduce_sum3A_17 = vector.multi_reduction <add>, %add3A_9, %reduce_sum3A [0] : vector<1024x512xf32> to vector<512xf32>
    %broadcast_in_dim3A = vector.shape_cast %reduce_sum3A_17 : vector<512xf32> to vector<1x512xf32>
    %add3A_18 = arith.addf %get3A_16, %broadcast_in_dim3A : vector<1x512xf32>
    %swap3A_19 = arith.constant 0 : index
    %swap3A_20 = arith.constant 0 : index
    %swap3A_21 = vector.load %arg4[%swap3A_19, %swap3A_20] : memref<1x512xf32, #tpu.memory_space<vmem>>, vector<1x512xf32>
    tpu.vector_store %arg4[%swap3A_19, %swap3A_20], %add3A_18 {strides = array<i32>} : memref<1x512xf32, #tpu.memory_space<vmem>>, vector<1x512xf32>,
    %get3A_22 = arith.constant 0 : index
    %get3A_23 = arith.constant 0 : index
    %get3A_24 = vector.load %arg5[%get3A_22, %get3A_23] : memref<1x512xf32, #tpu.memory_space<vmem>>, vector<1x512xf32>
    %mul3A = arith.mulf %add3A_9, %add3A_9 : vector<1024x512xf32>
    %reduce_sum3A_25 = arith.constant dense<0.000000e+00> : vector<512xf32>
    %reduce_sum3A_26 = vector.multi_reduction <add>, %mul3A, %reduce_sum3A_25 [0] : vector<1024x512xf32> to vector<512xf32>
    %broadcast_in_dim3A_27 = vector.shape_cast %reduce_sum3A_26 : vector<512xf32> to vector<1x512xf32>
    %add3A_28 = arith.addf %get3A_24, %broadcast_in_dim3A_27 : vector<1x512xf32>
    %swap3A_29 = arith.constant 0 : index
    %swap3A_30 = arith.constant 0 : index
    %swap3A_31 = vector.load %arg5[%swap3A_29, %swap3A_30] : memref<1x512xf32, #tpu.memory_space<vmem>>, vector<1x512xf32>
    tpu.vector_store %arg5[%swap3A_29, %swap3A_30], %add3A_28 {strides = array<i32>} : memref<1x512xf32, #tpu.memory_space<vmem>>, vector<1x512xf32>,
    return
  }
  func.func @transform_0(%arg0: i32) -> (i32, i32) {
    %c0_i32 = arith.constant 0 : i32
    %c0_i32_0 = arith.constant 0 : i32
    return %arg0, %c0_i32 : i32, i32
  }
  func.func @transform_1(%arg0: i32) -> (i32, i32) {
    %c0_i32 = arith.constant 0 : i32
    %c0_i32_0 = arith.constant 0 : i32
    %c0_i32_1 = arith.constant 0 : i32
    return %c0_i32, %c0_i32_0 : i32, i32
  }
  func.func @transform_2(%arg0: i32) -> (i32, i32) {
    %c0_i32 = arith.constant 0 : i32
    %c0_i32_0 = arith.constant 0 : i32
    %c0_i32_1 = arith.constant 0 : i32
    return %c0_i32, %c0_i32_0 : i32, i32
  }
  func.func @transform_3(%arg0: i32) -> (i32, i32) {
    %c0_i32 = arith.constant 0 : i32
    %c0_i32_0 = arith.constant 0 : i32
    %c0_i32_1 = arith.constant 0 : i32
    return %c0_i32, %c0_i32_0 : i32, i32
  }
  func.func @transform_4(%arg0: i32) -> (i32, i32) {
    %c0_i32 = arith.constant 0 : i32
    %c0_i32_0 = arith.constant 0 : i32
    %c0_i32_1 = arith.constant 0 : i32
    return %c0_i32, %c0_i32_0 : i32, i32
  }
  func.func @transform_5(%arg0: i32) -> (i32, i32) {
    %c0_i32 = arith.constant 0 : i32
    %c0_i32_0 = arith.constant 0 : i32
    return %arg0, %c0_i32 : i32, i32
  }
}

module attributes {stable_mosaic.version = 14 : i64} {
  func.func @_scores_kernel(%arg0: i32, %arg1: memref<1024x512xf32, #tpu.memory_space<vmem>>, %arg2: memref<1x512xf32, #tpu.memory_space<vmem>>, %arg3: memref<1x512xf32, #tpu.memory_space<vmem>>, %arg4: memref<1x512xf32, #tpu.memory_space<vmem>>, %arg5: memref<64x512xf32, #tpu.memory_space<vmem>>, %arg6: memref<1x64x1024xf32, #tpu.memory_space<vmem>>) attributes {dimension_semantics = [#tpu.dimension_semantics<arbitrary>], iteration_bounds = array<i64: 32>, scalar_prefetch = 0 : i64, scratch_operands = 0 : i64, tpu.core_type = #tpu.core_type<tc>, window_params = [{transform_indices = @transform_0, window_bounds = array<i64: 1024, 512>}, {pipeline_mode = #tpu.pipeline_mode<synchronous>, transform_indices = @transform_1, window_bounds = array<i64: 1, 512>}, {pipeline_mode = #tpu.pipeline_mode<synchronous>, transform_indices = @transform_2, window_bounds = array<i64: 1, 512>}, {pipeline_mode = #tpu.pipeline_mode<synchronous>, transform_indices = @transform_3, window_bounds = array<i64: 1, 512>}, {pipeline_mode = #tpu.pipeline_mode<synchronous>, transform_indices = @transform_4, window_bounds = array<i64: 64, 512>}, {transform_indices = @transform_5, window_bounds = array<i64: 1, 64, 1024>}]} {
    %get3A = arith.constant 0 : index
    %get3A_0 = arith.constant 0 : index
    %get3A_1 = vector.load %arg1[%get3A, %get3A_0] : memref<1024x512xf32, #tpu.memory_space<vmem>>, vector<1024x512xf32>
    %get3A_2 = arith.constant 0 : index
    %get3A_3 = arith.constant 0 : index
    %get3A_4 = vector.load %arg2[%get3A_2, %get3A_3] : memref<1x512xf32, #tpu.memory_space<vmem>>, vector<1x512xf32>
    %sub3A = vector.broadcast %get3A_4 : vector<1x512xf32> to vector<1024x512xf32>
    %sub3A_5 = arith.subf %get3A_1, %sub3A : vector<1024x512xf32>
    %get3A_6 = arith.constant 0 : index
    %get3A_7 = arith.constant 0 : index
    %get3A_8 = vector.load %arg3[%get3A_6, %get3A_7] : memref<1x512xf32, #tpu.memory_space<vmem>>, vector<1x512xf32>
    %mul3A = vector.broadcast %get3A_8 : vector<1x512xf32> to vector<1024x512xf32>
    %mul3A_9 = arith.mulf %sub3A_5, %mul3A : vector<1024x512xf32>
    %get3A_10 = arith.constant 0 : index
    %get3A_11 = arith.constant 0 : index
    %get3A_12 = vector.load %arg4[%get3A_10, %get3A_11] : memref<1x512xf32, #tpu.memory_space<vmem>>, vector<1x512xf32>
    %add3A = vector.broadcast %get3A_12 : vector<1x512xf32> to vector<1024x512xf32>
    %add3A_13 = arith.addf %mul3A_9, %add3A : vector<1024x512xf32>
    %get3A_14 = arith.constant 0 : index
    %get3A_15 = arith.constant 0 : index
    %get3A_16 = vector.load %arg5[%get3A_14, %get3A_15] : memref<64x512xf32, #tpu.memory_space<vmem>>, vector<64x512xf32>
    %dot_general3A = arith.constant dense<0.000000e+00> : vector<64x1024xf32>
    %dot_general3A_17 = tpu.matmul %get3A_16, %add3A_13, %dot_general3A {dimension_numbers = #tpu.dot_dimension_numbers<[1], [1], [0], [0], [0, 0, 1, 0], [], []>, transpose_lhs_hint = false} : vector<64x512xf32>, vector<1024x512xf32>, vector<64x1024xf32> -> vector<64x1024xf32>
    %broadcast_in_dim3A = vector.shape_cast %dot_general3A_17 : vector<64x1024xf32> to vector<1x64x1024xf32>
    %swap3A = arith.constant 0 : index
    %swap3A_18 = arith.constant 0 : index
    %swap3A_19 = arith.constant 0 : index
    %swap3A_20 = vector.load %arg6[%swap3A, %swap3A_18, %swap3A_19] : memref<1x64x1024xf32, #tpu.memory_space<vmem>>, vector<1x64x1024xf32>
    tpu.vector_store %arg6[%swap3A, %swap3A_18, %swap3A_19], %broadcast_in_dim3A {strides = array<i32>} : memref<1x64x1024xf32, #tpu.memory_space<vmem>>, vector<1x64x1024xf32>,
    return
  }
  func.func @transform_0(%arg0: i32) -> (i32, i32) {
    %c0_i32 = arith.constant 0 : i32
    %c0_i32_0 = arith.constant 0 : i32
    return %arg0, %c0_i32 : i32, i32
  }
  func.func @transform_1(%arg0: i32) -> (i32, i32) {
    %c0_i32 = arith.constant 0 : i32
    %c0_i32_0 = arith.constant 0 : i32
    %c0_i32_1 = arith.constant 0 : i32
    return %c0_i32, %c0_i32_0 : i32, i32
  }
  func.func @transform_2(%arg0: i32) -> (i32, i32) {
    %c0_i32 = arith.constant 0 : i32
    %c0_i32_0 = arith.constant 0 : i32
    %c0_i32_1 = arith.constant 0 : i32
    return %c0_i32, %c0_i32_0 : i32, i32
  }
  func.func @transform_3(%arg0: i32) -> (i32, i32) {
    %c0_i32 = arith.constant 0 : i32
    %c0_i32_0 = arith.constant 0 : i32
    %c0_i32_1 = arith.constant 0 : i32
    return %c0_i32, %c0_i32_0 : i32, i32
  }
  func.func @transform_4(%arg0: i32) -> (i32, i32) {
    %c0_i32 = arith.constant 0 : i32
    %c0_i32_0 = arith.constant 0 : i32
    %c0_i32_1 = arith.constant 0 : i32
    return %c0_i32, %c0_i32_0 : i32, i32
  }
  func.func @transform_5(%arg0: i32) -> (i32, i32, i32) {
    %c0_i32 = arith.constant 0 : i32
    %c0_i32_0 = arith.constant 0 : i32
    %c0_i32_1 = arith.constant 0 : i32
    return %arg0, %c0_i32, %c0_i32_0 : i32, i32, i32
  }
}

</mosaic_0001>

<sc_bundles>
// kernel: kernel.5.cloned.1.call-start
scs
__scs_entry_jumppad:
0x0: {  	(pc) =	sbr.rel $0x88, $3  }
0x1: {  	(tag) =	ssettag $0x0;
	lr =	simm.s32 $0x1  }
0x2: {  	[smem:$0x3F9A] =	sst lr;
	_ =	strace $0xD0000000  }
0x3: {  	_ = 	snop  }
0x4: {  	_ = 	snop  }
0x5: {  	_ = 	snop  }
0x6: {  	_ = 	snop  }
0x7: {  	_ = 	snop  }
__scs_overlays_trampoline_lowered:
0x8: {  	[smem:$0x3FA9] =	sst s0  }
0x9: {  	[smem:$0x3FAA] =	sst s1  }
0xa: {  	[smem:$0x3FAB] =	sst s2  }
0xb: {  	[smem:$0x3FAC] =	sst s3  }
0xc: {  	[smem:$0x3FAD] =	sst s4  }
0xd: {  	[smem:$0x3FAE] =	sst s5  }
0xe: {  	[smem:$0x3FAF] =	sst s6  }
0xf: {  	[smem:$0x3FB0] =	sst s7  }
0x10: {  	[smem:$0x3FB1] =	sst s8  }
0x11: {  	[smem:$0x3FB2] =	sst s9;
	s0 =	simm.s32 @!p0 $0x0  }
0x12: {  	s1 =	sld [smem:$0x3F98];
	s0 =	simm.s32 @p0 $0x1  }
0x13: {  	[smem:$0x3FB3] =	sst s0;
	s0 =	simm.s32 @!p1 $0x0  }
0x14: {  	s2 =	sld [smem:$0x3F97];
	s0 =	simm.s32 @p1 $0x1  }
0x15: {  	[smem:$0x3FB4] =	sst s0;
	s0 =	simm.s32 @!p2 $0x0  }
0x16: {  	s3 =	sld [smem:$0x3FDB];
	s0 =	simm.s32 @p2 $0x1  }
0x17: {  	s4 =	simm.s32 $0x1BF5;
	[smem:$0x3FB6] =	sst s0  }
0x18: {  	s0 =	sld [smem:$0x3F99];
	_ =	swait.ge [sflag:s4], $0x0  }
0x19: {  	s7 =	sld [smem:$0x3F9A]  }
0x1a: {  	s8 =	sadd.s32 $0xFFFFE003, lr  }
0x1b: {  	s9 =	sadd.s32 $0xFFFFFEF7, lr;
	s5 =	simm.s32 $0xFFFFFFFF;
	p2 =	slt.u32 s8, $0xFFFFF086  }
0x1c: {  	p1 =	slt.u32 s9, $0xF7A;
	s5 =	simm.s32 @!p2 $0x0  }
0x1d: {  	s5 =	simm.s32 @p1 $0x1;
	p0 =	seq.s32 s7, s2  }
0x1e: {  	s7 =	smul.u32 @!p0 $0xF7A, s2;
	p2 =	seq.s32 @!p0 s5, $0x0  }
0x1f: {  	s9 =	smul.u32 $0xF7A, s1;
	s8 =	simm.s32 @!p0 $0x1BF5;
	p2 =	por !p2, p0  }
0x20: {  	[sflag:s8] =	ssyncset.s32 @!p0 $0xFFFFF086;
	s6 =	sadd.s32 @!p0 s3, s7;
	s7 =	simm.s32 @!p0 $0x108  }
0x21: {  	s3 =	sadd.s32 s3, s9;
	s6 =	sadd.s32 @!p0 $0x88, s6;
	s7 =	simm.s32 @p2 $0x1082  }
0x22: {  	[simem:s7], [sflag:s8] =	dma.local @!p0 [hbm:s6], $0xF7A  }
0x23: {  	s9 =	sor.u32 $0xD0000000, s2;
	s6 =	simm.s32 $0x108;
	_ =	swait.ge @!p0 [sflag:s8], $0x0  }
0x24: {  	s3 =	sadd.s32 $0x88, s3;
	s6 =	simm.s32 @!p1 $0x1082;
	[sflag:s4] =	ssyncset.s32 $0xFFFFF086  }
0x25: {  	[simem:s6], [sflag:s4] =	dma.local [hbm:s3], $0xF7A  }
0x26: {  	[smem:$0x3F9A] =	sst s1;
	(tag) =	ssettag s2;
	_ =	strace s9  }
0x27: {  	s1 =	sld [smem:$0x3FAA]  }
0x28: {  	s2 =	sld [smem:$0x3FAB]  }
0x29: {  	s4 =	sld [smem:$0x3FAD]  }
0x2a: {  	p0 =	seq.s32 s5, $0x0;
	s5 =	sld [smem:$0x3FAE]  }
0x2b: {  	s6 =	sld [smem:$0x3FAF]  }
0x2c: {  	s7 =	sld [smem:$0x3FB0]  }
0x2d: {  	s3 =	simm.s32 $0x108;
	s8 =	sld [smem:$0x3FB1]  }
0x2e: {  	s3 =	simm.s32 @!p0 $0x1082;
	s9 =	sld [smem:$0x3FB2]  }
0x2f: {  	lr =	sadd.s32 s0, s3;
	s0 =	sld [smem:$0x3FA9]  }
0x30: {  	s3 =	sld [smem:$0x3FAC]  }
0x31: {  	[smem:$0x3FB5] =	sst s10  }
0x32: {  	s10 =	sld [smem:$0x3FB3];
	_ =	sdelay $0x3  }
0x33: {  	p0 =	seq.s32 s10, $0x1;
	s10 =	sld [smem:$0x3FB5];
	_ =	sdelay $0x3  }
0x34: {  	[smem:$0x3FB5] =	sst s10  }
0x35: {  	s10 =	sld [smem:$0x3FB4];
	_ =	sdelay $0x3  }
0x36: {  	p1 =	seq.s32 s10, $0x1;
	s10 =	sld [smem:$0x3FB5];
	_ =	sdelay $0x3  }
0x37: {  	[smem:$0x3FB5] =	sst s10  }
0x38: {  	s10 =	sld [smem:$0x3FB6]  }
0x39: {  	_ = 	snop;
	(pc) =	sbr.ind lr, $3  }
0x3a: {  	_ = 	snop  }
0x3b: {  	_ = 	snop  }
0x3c: {  	p2 =	seq.s32 s10, $0x1;
	s10 =	sld [smem:$0x3FB5]  }
0x3d: {  	_ =	shalt  }
0x3e: {  	_ =	shalt  }
0x3f: {  	_ =	shalt  }
0x40: {  	_ =	shalt  }
0x41: {  	_ =	shalt  }
0x42: {  	_ =	shalt  }
0x43: {  	_ =	shalt  }
0x44: {  	_ =	shalt  }
0x45: {  	_ =	shalt  }
0x46: {  	_ =	shalt  }
0x47: {  	_ =	shalt  }
0x48: {  	_ =	shalt  }
0x49: {  	_ =	shalt  }
0x4a: {  	_ =	shalt  }
0x4b: {  	_ =	shalt  }
0x4c: {  	_ =	shalt  }
0x4d: {  	_ =	shalt  }
0x4e: {  	_ =	shalt  }
0x4f: {  	_ =	shalt  }
0x50: {  	_ =	shalt  }
0x51: {  	_ =	shalt  }
0x52: {  	_ =	shalt  }
0x53: {  	_ =	shalt  }
0x54: {  	_ =	shalt  }
0x55: {  	_ =	shalt  }
0x56: {  	_ =	shalt  }
0x57: {  	_ =	shalt  }
0x58: {  	_ =	shalt  }
0x59: {  	_ =	shalt  }
0x5a: {  	_ =	shalt  }
0x5b: {  	_ =	shalt  }
0x5c: {  	_ =	shalt  }
0x5d: {  	_ =	shalt  }
0x5e: {  	_ =	shalt  }
0x5f: {  	_ =	shalt  }
0x60: {  	_ =	shalt  }
0x61: {  	_ =	shalt  }
0x62: {  	_ =	shalt  }
0x63: {  	_ =	shalt  }
0x64: {  	_ =	shalt  }
0x65: {  	_ =	shalt  }
0x66: {  	_ =	shalt  }
0x67: {  	_ =	shalt  }
0x68: {  	_ =	shalt  }
0x69: {  	_ =	shalt  }
0x6a: {  	_ =	shalt  }
0x6b: {  	_ =	shalt  }
0x6c: {  	_ =	shalt  }
0x6d: {  	_ =	shalt  }
0x6e: {  	_ =	shalt  }
0x6f: {  	_ =	shalt  }
0x70: {  	_ =	shalt  }
0x71: {  	_ =	shalt  }
0x72: {  	_ =	shalt  }
0x73: {  	_ =	shalt  }
0x74: {  	_ =	shalt  }
0x75: {  	_ =	shalt  }
0x76: {  	_ =	shalt  }
0x77: {  	_ =	shalt  }
0x78: {  	_ =	shalt  }
0x79: {  	_ =	shalt  }
0x7a: {  	_ =	shalt  }
0x7b: {  	_ =	shalt  }
0x7c: {  	_ =	shalt  }
0x7d: {  	_ =	shalt  }
0x7e: {  	_ =	shalt  }
0x7f: {  	_ =	shalt  }
0x80: {  	_ =	shalt  }
0x81: {  	_ =	shalt  }
0x82: {  	_ =	shalt  }
0x83: {  	_ =	shalt  }
0x84: {  	_ =	shalt  }
0x85: {  	_ =	shalt  }
0x86: {  	_ =	shalt  }
0x87: {  	_ =	shalt  }
.Lfunc_end0:
.L_simem_size_0:
called_computation_lowered:
.L_overlay_start_0:
0x88: {  	s2 =	sld [smem:$0x3FD9]  }
0x89: {  	s3 =	sld [smem:$0x3FFE];
	_ =	sdelay $0x1  }
0x8a: {  	s1 =	srdreg.scid  }
0x8b: {  	s0 =	sand.u32 $0x1, s1  }
0x8c: {  	s14 =	sshll.u32 s0, $0xA;
	s2 =	sadd.s32 s3, s2  }
0x8d: {  	s2 =	sadd.s32 s2, s14  }
0x8e: {  	[smem:$0x3FC1] =	sst s2  }
0x8f: {  	_ = 	snop  }
0x90: {  	s2 =	sld [smem:$0x3FD0];
	_ =	sdelay $0x2  }
0x91: {  	s15 =	simm.s32 $0xA;
	s4 =	simm.s32 $0x10  }
0x92: {  	[smem:s4], [sflag:s15] =	dma.local [hbm:s2], $0x1  }
0x93: {  	_ =	swait.eq [sflag:s15], $0x1  }
0x94: {  	[sflag:s15] =	ssyncset.done $0x0  }
0x95: {  	[sflag:s15] =	ssyncadd.s32 $0xFFFFFFFF  }
0x96: {  	s16 =	sld [smem:$0x11];
	(tm) =	ssettm $0x1  }
0x97: {  	s17 =	sld [smem:$0x3FFB];
	_ =	sdelay $0x3  }
0x98: {  	_ =	strace s17  }
0x99: {  	s3 =	sld [smem:$0x3FFC];
	_ =	sdelay $0x3  }
0x9a: {  	_ =	strace s3  }
0x9b: {  	s3 =	sld [smem:$0x3FFD];
	_ =	sdelay $0x3  }
0x9c: {  	_ =	strace s3  }
0x9d: {  	_ =	strace $0x8FFFFFFF  }
0x9e: {  	s18 =	sld [smem:$0x3FDB];
	_ =	sdelay $0x1  }
0x9f: {  	s19 =	simm.s32 $_scs_section_size  }
0xa0: {  	s5 =	simm.s32 $_size__tile_overlayer_lowered;
	s6 =	simm.s32 $_tile_overlayer_lowered  }
0xa1: {  	s22 =	simm.s32 $0x1BFF;
	s21 =	sshll.u32 s6, $0x1;
	s3 =	sadd.s32 s19, s18  }
0xa2: {  	s7 =	simm.s32 $0x0;
	s20 =	sshll.u32 s5, $0x1;
	s5 =	sadd.s32 s21, s3  }
0xa3: {  	[timem:s7], [sflag:s22] =	dma.local [hbm:s5], s20  }
0xa4: {  	_ =	swait.ge [sflag:s22], s20  }
0xa5: {  	s4 =	ssub.s32 $0x0, s20;
	[sflag:s22] =	ssyncset.done $0x0  }
0xa6: {  	[sflag:s22] =	ssyncadd.s32 s4;
	_ =	sdelay $0x1  }
0xa7: {  	s23 =	simm.s32 $0x1B8B  }
0xa8: {  	_ =	swait.ge [sflag:s23], $0x1  }
0xa9: {  	[sflag:s23] =	ssyncset.done $0x0  }
0xaa: {  	s25 =	simm.s32 $0x1B8E;
	s24 =	sld [smem:$0x3FFE];
	[sflag:s23] =	ssyncadd.s32 $0xFFFFFFFF  }
0xab: {  	s26 =	simm.s32 $execute0_lowered;
	[smem:$0x3FD2] =	sst s25  }
0xac: {  	s5 =	sshll.u32 s26, $0x1;
	_ =	strace $0x80000046;
	[dreg:$0x1] =	wrdreg $0xFFFFFFFF  }
0xad: {  	s28 =	simm.s32 $_size_execute0_lowered;
	s3 =	sadd.s32 s3, s5;
	[dreg:$0x0] =	wrdreg $0x0  }
0xae: {  	s5 =	sshll.u32 s28, $0x1;
	[dreg:$0x2] =	wrdreg s3  }
0xaf: {  	[dreg:$0x3] =	wrdreg s5  }
0xb0: {  	[dreg:$0x4] =	wrdreg $0xC0  }
0xb1: {  	_ =	task [dreg:s7], $0x5FFFF  }
0xb2: {  	[dreg:$0x1] =	wrdreg $0xFFFFFFFF  }
0xb3: {  	[dreg:$0x0] =	wrdreg $0x60  }
0xb4: {  	[dreg:$0x2] =	wrdreg s24  }
0xb5: {  	[dreg:$0x3] =	wrdreg s16  }
0xb6: {  	[dreg:$0x4] =	wrdreg $0x9  }
0xb7: {  	_ =	task.clear_ibuf [dreg:s7], $0x5FFFF;
	_ =	strace $0x90000046  }
0xb8: {  	s29 =	simm.s32 $0x9;
	_ =	strace $0x80000048  }
0xb9: {  	_ =	swait.ge [sflag:s29], $0x1  }
0xba: {  	[sflag:s29] =	ssyncadd.s32 $0xFFFFFFFF  }
0xbb: {  	_ =	strace $0x90000048  }
0xbc: {  	_ =	sfence  }
0xbd: {  	s30 =	sld [smem:$0x0];
	_ =	sdelay $0x2  }
0xbe: {  	s31 =	sshll.u32 s1, $0xD;
	s1 =	sshrl.u32 s1, $0x2  }
0xbf: {  	s3 =	sand.u32 $0x4000, s31;
	s1 =	sadd.s32 s1, s30  }
0xc0: {  	s0 =	sor.u32 s3, s0;
	s1 =	sshll.u32 s1, $0x11  }
0xc1: {  	s0 =	sor.u32 s1, s0  }
0xc2: {  	s0 =	sadd.s32 $0x8F2B, s0  }
0xc3: {  	[sflag:s0] =	ssyncadd.remote.s32 $0x1  }
0xc4: {  	_ =	sfence.sel $0xFFFF  }
0xc5: {  	[dreg:$0x0] =	wrdreg $0xFFFFFFFF;
	(pc) =	sbr.abs _section_cstart, $3  }
0xc6: {  	[dreg:$0x1] =	wrdreg $0xFFFFFFFF  }
0xc7: {  	_ =	task.clear_ibuf [dreg:s7], $0x2FFFF;
	_ =	strace $0x9FFFFFFF  }
0xc8: {  	(tm) =	ssettm $0x7FFFFFFF  }
0xc9: {  	_ =	shalt  }
tec
execute0_lowered:
.L_overlay_start_1:
0x0: {  	(tag) =	ssettag $0x1  }
0x1: {  	s3 =	rddreg [dreg:$0x0]  }
0x2: {  	s4 =	rddreg [dreg:$0x1]  }
0x3: {  	s0 =	rddreg [dreg:$0x2]  }
0x4: {  	s5 =	srdreg.scid;
	s1 =	stileid.u32  }
0x5: {  	s2 =	simm.s32 $0x0;
	s5 =	sand.u32 $0x1, s5;
	s6 =	sshll.u32 s1, $0x1  }
0x6: {  	s10 =	simm.s32 $0x0;
	[smem:$0x7FF] =	sst s2;
	s6 =	sor.u32 s5, s6  }
0x7: {  	_ =	strace $0x80000047;
	s5 =	ssub.s32 $0x2, s5;
	s7 =	sshll.u32 s6, $0xD  }
0x8: {  	s6 =	sshll.u32 s6, $0xA;
	s31 =	sshrl.u32 s5, $0x1;
	s7 =	sadd.s32 s7, s3  }
0x9: {  	s8 =	sadd.s32 s6, s3;
	s9 =	ssub.s32 s5, s31;
	s4 =	sadd.s32 s4, s6  }
0xa: {  	s3 =	sadd.s32 $0x1600, s7;
	s5 =	sadd.s32 $0x41600, s8;
	s6 =	smax.u32 s9, $0x1  }
0xb: {  	v0 =	vimm.s32 $0x0;
	s7 =	simm.s32 $0x1;
	s8 =	simm.s32 $0x10000;
	s9 =	simm.s32 $0x12000  }
.LBB2_1:
0xc: {  	[tilespmem:s2], [sflag:$0x1] =	stream.linear.gather [hbm4b:s3+s2], $0x10000, $0x38;
	[tilespmem:$0x14000] =	vst v63  }
0xd: {  	_ =	swait.ge [sflag:s7], $0x10000  }
0xe: {  	[sflag:s7] =	ssyncset.done $0x0  }
0xf: {  	s11 =	simm.s32 $0x0;
	s12 =	simm.s32 $0x0;
	[sflag:s7] =	ssyncadd.s32 $0xFFFF0000  }
.LBB2_2:
0x10: {  	s13 =	sand.u32 $0x70, s12;
	s14 =	sand.u32 $0x1C00, s11  }
0x11: {  	s13 =	sor.u32 s13, s14  }
0x12: {  	v1 =	vld [tilespmem:s13+$0x0]  }
0x13: {  	v2 =	vld [tilespmem:s13+$0x80]  }
0x14: {  	v50 =	vld [tilespmem:s13+$0x2000]  }
0x15: {  	v9 =	vld [tilespmem:s13+$0x2080];
	_ =	sdelay $0x1  }
0x16: {  	v3 =	vld [tilespmem:s13+$0x100]  }
0x17: {  	v34 =	vimm.s32 $0x0;
	v51 =	vld [tilespmem:s13+$0x2100]  }
0x18: {  	v39 =	vimm.s32 $0x0;
	v41 =	vimm.s32 $0x0;
	vm0 =	vgt.f32 v2, v1  }
0x19: {  	v4 =	vld [tilespmem:s13+$0x180];
	vm2 =	vgt.f32 v9, v50;
	vm1 =	vmneg vm0;
	v5 =	vsel vm0, v2, v1  }
0x1a: {  	v1 =	vsel vm0, v1, v2;
	v2 =	vsel vm0, $0x1, v0;
	v11 =	vsel vm2, v50, v9  }
0x1b: {  	v60 =	vsel vm2, $0x1, v0;
	v6 =	vsel vm1, $0x1, v0;
	vm6 =	vgt.f32 v3, v1  }
0x1c: {  	vm7 =	vgt.f32 v3, v5;
	vm4 =	vgt.f32 v51, v11;
	v1 =	vsel vm6, v3, v1  }
0x1d: {  	v7 =	vld [tilespmem:s13+$0x200];
	v6 =	vsel vm6, $0x2, v6;
	v3 =	vsel vm7, v3, v5;
	v1 =	vsel vm7, v5, v1  }
0x1e: {  	v53 =	vsel vm4, v51, v11;
	v6 =	vsel vm7, v2, v6;
	vm8 =	vgt.f32 v4, v1  }
0x1f: {  	v2 =	vsel vm7, $0x2, v2;
	vm9 =	vgt.f32 v4, v3;
	v1 =	vsel vm8, v4, v1  }
0x20: {  	v48 =	vsel vm8, $0x3, v6;
	vm8 =	vmneg vm2;
	v1 =	vsel vm9, v3, v1  }
0x21: {  	v49 =	vld [tilespmem:s13+$0x280];
	v5 =	vsel vm9, v2, v48;
	v3 =	vsel vm9, v4, v3;
	v2 =	vsel vm9, $0x3, v2  }
0x22: {  	v52 =	vld [tilespmem:s13+$0x2180];
	v4 =	vsel vm2, v9, v50;
	v12 =	vsel vm8, $0x1, v0;
	vm10 =	vgt.f32 v7, v1  }
0x23: {  	vm11 =	vgt.f32 v7, v3;
	vm15 =	vgt.f32 v51, v4;
	v61 =	vsel vm4, $0x2, v12  }
0x24: {  	v1 =	vsel vm10, v7, v1;
	v5 =	vsel vm10, $0x4, v5;
	v55 =	vsel vm15, v4, v53  }
0x25: {  	v8 =	vld [tilespmem:s13+$0x300];
	v4 =	vsel vm15, v51, v4;
	v63 =	vsel vm15, v60, v61;
	v9 =	vsel vm15, $0x2, v60  }
0x26: {  	v1 =	vsel vm11, v3, v1;
	v5 =	vsel vm11, v2, v5;
	v3 =	vsel vm11, v7, v3  }
0x27: {  	s31 =	sor.u32 s11, s12;
	v2 =	vsel vm11, $0x4, v2;
	vm5 =	vgt.f32 v52, v55;
	vm12 =	vgt.f32 v49, v1  }
0x28: {  	s14 =	sor.u32 $0x380, s31;
	vm13 =	vgt.f32 v49, v3;
	v1 =	vsel vm12, v49, v1;
	v5 =	vsel vm12, $0x5, v5  }
0x29: {  	v10 =	vld [tilespmem:s14+$0x0];
	v56 =	vsel vm5, v52, v55;
	v1 =	vsel vm13, v3, v1;
	v5 =	vsel vm13, v2, v5  }
0x2a: {  	v3 =	vsel vm13, v49, v3;
	v2 =	vsel vm13, $0x5, v2;
	vm14 =	vgt.f32 v8, v1  }
0x2b: {  	v54 =	vld [tilespmem:s13+$0x2200];
	vm3 =	vgt.f32 v8, v3;
	v1 =	vsel vm14, v8, v1;
	v5 =	vsel vm14, $0x6, v5  }
0x2c: {  	v13 =	vsel vm5, $0x3, v63;
	v1 =	vsel vm3, v3, v1;
	v5 =	vsel vm3, v2, v5  }
0x2d: {  	v3 =	vsel vm3, v8, v3;
	v2 =	vsel vm3, $0x6, v2;
	vm3 =	vgt.f32 v52, v4  }
0x2e: {  	vm6 =	vgt.f32 v10, v1;
	vm0 =	vgt.f32 v10, v3;
	v7 =	vsel vm3, v4, v56  }
0x2f: {  	v57 =	vld [tilespmem:s13+$0x2280];
	v4 =	vsel vm3, v52, v4;
	v8 =	vsel vm3, v9, v13;
	v9 =	vsel vm3, $0x3, v9  }
0x30: {  	v16 =	vld [tilespmem:s13+$0x4000];
	v1 =	vsel vm6, v10, v1;
	vm7 =	vgt.f32 v54, v7;
	v5 =	vsel vm6, $0x7, v5  }
0x31: {  	v17 =	vld [tilespmem:s13+$0x4080];
	vm6 =	vgt.f32 v54, v4;
	v1 =	vsel vm0, v3, v1;
	v58 =	vsel vm7, v54, v7  }
0x32: {  	v59 =	vld [tilespmem:s13+$0x2300];
	v3 =	vsel vm0, v10, v3;
	v8 =	vsel vm7, $0x4, v8;
	v15 =	vsel vm6, $0x4, v9  }
0x33: {  	v5 =	vsel vm0, v2, v5;
	v6 =	vsel vm6, v4, v58;
	v4 =	vsel vm6, v54, v4  }
0x34: {  	v14 =	vsel vm6, v9, v8;
	vm12 =	vgt.f32 v57, v6;
	vm13 =	vgt.f32 v57, v4  }
0x35: {  	v62 =	vld [tilespmem:s13+$0x2380];
	v6 =	vsel vm12, v57, v6;
	v7 =	vsel vm12, $0x5, v14;
	v8 =	vsel vm13, $0x5, v15  }
0x36: {  	vm12 =	vgt.f32 v17, v16;
	v6 =	vsel vm13, v4, v6;
	v4 =	vsel vm13, v57, v4  }
0x37: {  	v18 =	vld [tilespmem:s13+$0x4100];
	v7 =	vsel vm13, v15, v7;
	vm13 =	vmneg vm12;
	vm14 =	vgt.f32 v59, v6  }
0x38: {  	v23 =	vsel vm12, v17, v16;
	vm15 =	vgt.f32 v59, v4;
	v6 =	vsel vm14, v59, v6  }
0x39: {  	v9 =	vsel vm12, v16, v17;
	v25 =	vsel vm12, $0x1, v0;
	v6 =	vsel vm15, v4, v6  }
0x3a: {  	v26 =	vsel vm13, $0x1, v0;
	v4 =	vsel vm15, v59, v4;
	vm9 =	vgt.f32 v62, v6  }
0x3b: {  	v7 =	vsel vm14, $0x6, v7;
	vm10 =	vgt.f32 v62, v4;
	v6 =	vsel vm9, v62, v6  }
0x3c: {  	v22 =	vld [tilespmem:s13+$0x4180];
	v19 =	vsel vm15, $0x6, v8;
	vm14 =	vgt.f32 v18, v9;
	v6 =	vsel vm10, v4, v6  }
0x3d: {  	v9 =	vsel vm14, v18, v9;
	v4 =	vsel vm10, v62, v4;
	v6 =	vadd.f32 v6, v3  }
0x3e: {  	v12 =	vsel vm14, $0x2, v26;
	v1 =	vadd.f32 v4, v1;
	v4 =	vadd.f32 v4, v3  }
0x3f: {  	v3 =	vsel vm0, $0x7, v2;
	v2 =	vsel vm15, v8, v7;
	vm15 =	vgt.f32 v18, v23  }
0x40: {  	v2 =	vsel vm9, $0x7, v2;
	v27 =	vsel vm15, v23, v9;
	v28 =	vsel vm15, v25, v12  }
0x41: {  	v13 =	vld [tilespmem:s13+$0x6000];
	v29 =	vsel vm15, $0x2, v25;
	vm11 =	vge.f32 v6, v1;
	vm4 =	vgt.f32 v22, v27  }
0x42: {  	v14 =	vld [tilespmem:s13+$0x6080];
	v1 =	vsel vm11, v6, v1;
	v6 =	vsel vm15, v18, v23;
	v9 =	vsel vm4, $0x3, v28  }
0x43: {  	v24 =	vld [tilespmem:s13+$0x4200];
	v20 =	vsub.f32 v1, v4;
	v1 =	vsel vm10, v19, v2;
	v4 =	vsel vm10, $0x7, v19  }
0x44: {  	v2 =	vsel vm11, v3, v5;
	vm5 =	vgt.f32 v22, v6;
	v5 =	vsel vm4, v22, v27  }
0x45: {  	v3 =	vshll.u32 v3, $0x3;
	v1 =	vsel vm11, v1, v4;
	v5 =	vsel vm5, v6, v5  }
0x46: {  	v30 =	vld [tilespmem:s13+$0x6100];
	v9 =	vsel vm5, v29, v9;
	v6 =	vsel vm5, v22, v6;
	v31 =	vsel vm5, $0x3, v29  }
0x47: {  	vm11 =	vgt.f32 v14, v13;
	v3 =	vadd.s32 v3, v4;
	v2 =	vshll.u32 v2, $0x3  }
0x48: {  	v21 =	vmul.f32 $1.442695020e+00, v20;
	vm6 =	vgt.f32 v24, v5;
	vm7 =	vgt.f32 v24, v6  }
0x49: {  	v15 =	vsel vm11, v13, v14;
	v13 =	vsel vm11, v14, v13;
	vm5 =	vmneg vm11  }
0x4a: {  	v33 =	vld [tilespmem:s13+$0x4280];
	v45 =	vsel vm11, $0x1, v0;
	v1 =	vadd.s32 v1, v2;
	v5 =	vsel vm6, v24, v5  }
0x4b: {  	v32 =	vld [tilespmem:s13+$0x6180];
	vm8 =	vgt.f32 v30, v15;
	v9 =	vsel vm6, $0x4, v9;
	vm0 =	vgt.f32 v30, v13  }
0x4c: {  	v7 =	vsel vm7, $0x4, v31;
	v46 =	vsel vm5, $0x1, v0;
	(erf) = vpow2.f32 v21  }
0x4d: {  	v5 =	vsel vm7, v6, v5;
	v14 =	vsel vm8, $0xFFFFFFFF, v34;
	v35 =	vsel vm8, v30, v15  }
0x4e: {  	v36 =	vld [tilespmem:s13+$0x6200];
	v9 =	vsel vm7, v31, v9;
	v6 =	vsel vm7, v24, v6;
	v11 =	vsel vm0, v30, v13  }
0x4f: {  	v38 =	vld [tilespmem:s13+$0x4300];
	v30 =	vimm.s32 $0x0;
	v37 =	vsel vm0, v13, v35;
	vm12 =	vgt.f32 v33, v5  }
0x50: {  	vm1 =	vgt.f32 v32, v11;
	vm3 =	vgt.f32 v33, v6;
	vm9 =	vgt.f32 v32, v37  }
0x51: {  	v5 =	vsel vm12, v33, v5;
	v8 =	vsel vm1, v32, v11;
	v9 =	vsel vm12, $0x5, v9  }
0x52: {  	v13 =	vsel vm9, $0xFFFFFFFF, v39;
	v10 =	vsel vm9, v32, v37;
	v5 =	vsel vm3, v6, v5  }
0x53: {  	v16 =	vld [tilespmem:s13+$0x4380];
	v6 =	vsel vm3, v33, v6;
	vm2 =	vgt.f32 v36, v8;
	v9 =	vsel vm3, v7, v9  }
0x54: {  	[tilespmem:$0x1FE10] =	vst v14;
	v7 =	vsel vm3, $0x5, v7;
	v10 =	vsel vm1, v11, v10;
	vm13 =	vgt.f32 v38, v5  }
0x55: {  	v51 =	vld [tilespmem:$0x1FE10];
	vm4 =	vgt.f32 v38, v6;
	vm10 =	vgt.f32 v36, v10;
	v5 =	vsel vm13, v38, v5  }
0x56: {  	v40 =	vld [tilespmem:s13+$0x6280];
	v12 =	vsel vm4, v38, v6;
	v9 =	vsel vm13, $0x6, v9;
	v38 =	vimm.s32 $0x0  }
0x57: {  	v11 =	vsel vm10, $0xFFFFFFFF, v41;
	v10 =	vsel vm10, v36, v10;
	v5 =	vsel vm4, v6, v5  }
0x58: {  	vm8 =	vgt.f32 v16, v12;
	v9 =	vsel vm4, v7, v9;
	v7 =	vsel vm4, $0x6, v7  }
0x59: {  	v42 =	vld [tilespmem:s13+$0x6300];
	[tilespmem:$0x1FE20] =	vst v13;
	v41 =	vimm.s32 $0x0;
	v10 =	vsel vm2, v8, v10;
	v8 =	vsel vm2, v36, v8  }
0x5a: {  	v53 =	vld [tilespmem:$0x1FE20];
	vm5 =	vgt.f32 v16, v5;
	v49 =	vsel vm8, v16, v12;
	vm9 =	vnez.u8 v51  }
0x5b: {  	vm10 =	vgt.f32 v40, v10;
	vm7 =	vgt.f32 v40, v8;
	v5 =	vsel vm5, v16, v5  }
0x5c: {  	v13 =	vsel vm9, $0x2, v46;
	v58 =	vsel vm5, $0x7, v9;
	v46 =	vimm.s32 $0x0  }
0x5d: {  	v43 =	vld [tilespmem:s13+$0x6380];
	[tilespmem:$0x1FE30] =	vst v11;
	v10 =	vsel vm10, v40, v10;
	v47 =	vsel vm8, v12, v5;
	v13 =	vsel vm0, v45, v13  }
0x5e: {  	v54 =	vld [tilespmem:$0x1FE30];
	v60 =	vsel vm8, v7, v58;
	v44 =	vsel vm7, v8, v10;
	v8 =	vsel vm7, v40, v8  }
0x5f: {  	v10 =	vsel vm0, $0x2, v45;
	vm12 =	vnez.u8 v53;
	vm14 =	vgt.f32 v42, v44  }
0x60: {  	v40 =	vimm.s32 $0x0;
	vm11 =	vgt.f32 v42, v8;
	v6 =	vsel vm14, v42, v44  }
0x61: {  	v55 =	vld [tilespmem:s13+$0x8000];
	v45 =	vimm.s32 $0x0;
	v53 =	vimm.s32 $0x0;
	v5 =	vpop (erf);
	v6 =	vsel vm11, v8, v6  }
0x62: {  	v56 =	vld [tilespmem:s13+$0x8080];
	v52 =	vadd.f32 $1.000000000e+00, v5;
	v8 =	vsel vm11, v42, v8;
	vm6 =	vgt.f32 v43, v6  }
0x63: {  	vm9 =	vnez.u8 v54;
	vm15 =	vgt.f32 v43, v8;
	v48 =	vsel vm6, v43, v6  }
0x64: {  	v42 =	vimm.s32 $0x0;
	(erf) = vrcp.f32 v52;
	v50 =	vsel vm15, v8, v48  }
0x65: {  	v57 =	vld [tilespmem:s13+$0x8100];
	v8 =	vsel vm15, v43, v8;
	v43 =	vimm.s32 $0x0;
	v12 =	vadd.f32 v50, v49  }
0x66: {  	v11 =	vadd.f32 v8, v47;
	v6 =	vadd.f32 v8, v49;
	v8 =	vsel vm12, $0x3, v13  }
0x67: {  	vm12 =	vgt.f32 v56, v55;
	v47 =	vimm.s32 $0x0;
	v50 =	vimm.s32 $0x0  }
0x68: {  	v8 =	vsel vm1, v10, v8;
	v10 =	vsel vm1, $0x3, v10;
	v22 =	vsel vm12, v55, v56  }
0x69: {  	v23 =	vsel vm12, v56, v55;
	v26 =	vsel vm12, $0x1, v0;
	v55 =	vimm.s32 $0x0  }
0x6a: {  	vm0 =	vge.f32 v12, v11;
	v8 =	vsel vm9, $0x4, v8;
	vm13 =	vgt.f32 v57, v22  }
0x6b: {  	v11 =	vsel vm0, v12, v11;
	v8 =	vsel vm2, v10, v8;
	v10 =	vsel vm2, $0x4, v10  }
0x6c: {  	v63 =	vld [tilespmem:s13+$0x8180];
	v6 =	vsub.f32 v11, v6;
	v8 =	vsel vm10, $0x5, v8;
	v59 =	vsel vm7, $0x5, v10  }
0x6d: {  	v24 =	vsel vm13, v57, v22;
	v8 =	vsel vm7, v10, v8;
	v62 =	vsel vm11, $0x6, v59  }
0x6e: {  	v6 =	vmul.f32 $1.442695020e+00, v6;
	v8 =	vsel vm14, $0x6, v8;
	vm14 =	vgt.f32 v57, v23  }
0x6f: {  	v18 =	vld [tilespmem:s13+$0xA000];
	v11 =	vpop (erf);
	v61 =	vsel vm11, v59, v8;
	v27 =	vsel vm14, v23, v24;
	v13 =	vsel vm14, v57, v23  }
0x70: {  	v19 =	vld [tilespmem:s13+$0xA080];
	v15 =	vsel vm14, $0x2, v26;
	v5 =	vmul.f32 v11, v5;
	(erf) = vpow2.f32 v6  }
0x71: {  	v25 =	vld [tilespmem:s13+$0x8200];
	v6 =	vsel vm8, $0x7, v7;
	v7 =	vsel vm6, $0x7, v61;
	vm6 =	vgt.f32 v63, v27  }
0x72: {  	vm7 =	vgt.f32 v63, v13;
	v9 =	vsel vm15, v62, v7;
	v7 =	vsel vm15, $0x7, v62  }
0x73: {  	v8 =	vsel vm0, v6, v60;
	vm15 =	vmneg vm12;
	v16 =	vsel vm6, v63, v27  }
0x74: {  	v28 =	vld [tilespmem:s13+$0xA100];
	v27 =	vimm.s32 $0x0;
	v9 =	vsel vm0, v9, v7;
	v17 =	vsel vm15, $0x1, v0  }
0x75: {  	v21 =	vld [tilespmem:s13+$0x8280];
	v16 =	vsel vm7, v13, v16;
	v13 =	vsel vm7, v63, v13;
	vm0 =	vgt.f32 v19, v18  }
0x76: {  	v57 =	vld [tilespmem:s13+$0xE000];
	v63 =	vimm.s32 $0x0;
	v17 =	vsel vm13, $0x2, v17;
	vm8 =	vgt.f32 v25, v16  }
0x77: {  	v59 =	vld [tilespmem:s13+$0xE080];
	vm9 =	vgt.f32 v25, v13;
	v31 =	vsel vm0, v18, v19;
	v18 =	vsel vm0, v19, v18  }
0x78: {  	v54 =	vsel vm0, $0x1, v0;
	v17 =	vsel vm14, v26, v17;
	v16 =	vsel vm8, v25, v16  }
0x79: {  	v23 =	vld [tilespmem:s13+$0xA180];
	v22 =	vsel vm9, v25, v13;
	vm2 =	vgt.f32 v28, v31;
	vm1 =	vgt.f32 v28, v18  }
0x7a: {  	v26 =	vimm.s32 $0x0;
	v17 =	vsel vm6, $0x3, v17;
	v16 =	vsel vm9, v13, v16  }
0x7b: {  	v32 =	vld [tilespmem:s13+$0x8300];
	vm10 =	vgt.f32 v21, v22;
	v33 =	vsel vm2, v28, v31;
	v14 =	vsel vm1, v28, v18  }
0x7c: {  	v60 =	vld [tilespmem:s13+$0xE100];
	vm6 =	vgt.f32 v59, v57;
	v31 =	vimm.s32 $0x0;
	v17 =	vsel vm7, v15, v17  }
0x7d: {  	v15 =	vsel vm7, $0x3, v15;
	v12 =	vsel vm10, $0xFFFFFFFF, v30;
	vm11 =	vgt.f32 v21, v16  }
0x7e: {  	v35 =	vsel vm1, v18, v33;
	v37 =	vsel vm10, v21, v22;
	vm12 =	vgt.f32 v23, v14  }
0x7f: {  	v33 =	vsel vm6, v57, v59;
	v17 =	vsel vm8, $0x4, v17;
	v16 =	vsel vm11, v21, v16  }
0x80: {  	v36 =	vld [tilespmem:s13+$0x8380];
	[tilespmem:$0x1FE40] =	vst v12;
	v12 =	vsel vm9, $0x4, v15;
	vm3 =	vgt.f32 v23, v35;
	v21 =	vsel vm12, $0xFFFFFFFF, v38  }
0x81: {  	vm13 =	vgt.f32 v32, v37;
	vm7 =	vgt.f32 v60, v33;
	v38 =	vimm.s32 $0x0  }
0x82: {  	v24 =	vld [tilespmem:s13+$0xA200];
	v29 =	vsel vm9, v15, v17;
	v34 =	vsel vm10, v22, v16;
	v16 =	vsel vm3, v23, v35  }
0x83: {  	v22 =	vsel vm13, $0xFFFFFFFF, v40;
	v17 =	vsel vm13, v32, v37;
	v35 =	vimm.s32 $0x0  }
0x84: {  	v51 =	vld [tilespmem:s13+$0xC080];
	v13 =	vsel vm11, $0x5, v29;
	vm14 =	vgt.f32 v32, v34;
	v16 =	vsel vm12, v14, v16  }
0x85: {  	v49 =	vld [tilespmem:s13+$0xC000];
	v10 =	vpop (erf);
	v14 =	vsel vm12, v23, v14;
	vm9 =	vgt.f32 v36, v17;
	v29 =	vimm.s32 $0x0  }
0x86: {  	[tilespmem:$0x1FE80] =	vst v22;
	v20 =	vadd.f32 $1.000000000e+00, v10;
	v22 =	vsel vm14, $0xFFFFFFFF, v41;
	v15 =	vsel vm14, v32, v34  }
0x87: {  	vm15 =	vgt.f32 v24, v16;
	vm5 =	vgt.f32 v24, v14;
	v18 =	vsel vm9, $0xFFFFFFFF, v45  }
0x88: {  	vm14 =	vmneg vm0;
	v41 =	vimm.s32 $0x0;
	[tilespmem:$0x1FE50] =	vst v22;
	v22 =	vsel vm15, $0xFFFFFFFF, v42  }
0x89: {  	v39 =	vld [tilespmem:s13+$0xA280];
	v16 =	vsel vm15, v24, v16;
	v15 =	vsel vm13, v37, v15;
	v52 =	vsel vm14, $0x1, v0  }
0x8a: {  	vm14 =	vgt.f32 v51, v49;
	v37 =	vimm.s32 $0x0;
	v42 =	vimm.s32 $0x0  }
0x8b: {  	v25 =	vld [tilespmem:s13+$0xC100];
	[tilespmem:$0x1FE70] =	vst v22;
	v22 =	vsel vm5, $0xFFFFFFFF, v43;
	v16 =	vsel vm5, v14, v16;
	vm10 =	vgt.f32 v36, v15  }
0x8c: {  	v14 =	vsel vm5, v24, v14;
	v23 =	vsel vm2, $0x2, v52;
	v58 =	vsel vm14, v51, v49  }
0x8d: {  	v19 =	vsel vm14, v49, v51;
	(erf) = vrcp.f32 v20;
	v49 =	vimm.s32 $0x0  }
0x8e: {  	v44 =	vld [tilespmem:s13+$0xA300];
	[tilespmem:$0x1FF10] =	vst v18;
	v51 =	vimm.s32 $0x0;
	v18 =	vsel vm10, $0xFFFFFFFF, v46;
	vm11 =	vgt.f32 v39, v16  }
0x8f: {  	v15 =	vsel vm10, v36, v15;
	vm15 =	vgt.f32 v39, v14;
	v23 =	vsel vm1, v54, v23  }
0x90: {  	vm13 =	vgt.f32 v25, v19;
	v46 =	vimm.s32 $0x0;
	[tilespmem:$0x1FEB0] =	vst v18;
	v18 =	vsel vm11, $0xFFFFFFFF, v47  }
0x91: {  	v16 =	vsel vm11, v39, v16;
	v15 =	vsel vm9, v17, v15;
	v17 =	vsel vm9, v36, v17  }
0x92: {  	v23 =	vsel vm3, $0x3, v23;
	v16 =	vsel vm15, v14, v16;
	v14 =	vsel vm15, v39, v14  }
0x93: {  	v48 =	vld [tilespmem:s13+$0xA380];
	v27 =	vsel vm13, $0xFFFFFFFF, v27;
	vm8 =	vgt.f32 v44, v16;
	vm9 =	vgt.f32 v44, v14  }
0x94: {  	v56 =	vld [tilespmem:s13+$0xC180];
	[tilespmem:$0x1FE60] =	vst v21;
	v19 =	vsel vm13, v25, v19;
	v21 =	vsel vm8, $0xFFFFFFFF, v50;
	v24 =	vsel vm9, $0xFFFFFFFF, v53  }
0x95: {  	v16 =	vsel vm8, v44, v16;
	vm8 =	vgt.f32 v25, v58;
	v50 =	vimm.s32 $0x0  }
0x96: {  	v16 =	vsel vm9, v14, v16;
	v14 =	vsel vm9, v44, v14;
	v61 =	vsel vm8, v58, v19  }
0x97: {  	[tilespmem:$0x1FEC0] =	vst v21;
	v28 =	vsel vm8, v25, v58;
	v25 =	vsel vm6, $0xFFFFFFFF, v31;
	v21 =	vsel vm6, v59, v57  }
0x98: {  	v58 =	vimm.s32 $0x0;
	vm10 =	vgt.f32 v48, v16;
	vm11 =	vgt.f32 v48, v14  }
0x99: {  	vm5 =	vgt.f32 v56, v61;
	[tilespmem:$0x1FF60] =	vst v25;
	v25 =	vsel vm7, $0xFFFFFFFF, v35;
	vm13 =	vgt.f32 v60, v21  }
0x9a: {  	[tilespmem:$0x1FE90] =	vst v22;
	v22 =	vsel vm10, $0xFFFFFFFF, v55;
	v16 =	vsel vm10, v48, v16;
	v26 =	vsel vm11, $0xFFFFFFFF, v26  }
0x9b: {  	v62 =	vld [tilespmem:s13+$0xC200];
	[tilespmem:$0x1FEA0] =	vst v18;
	v18 =	vsel vm5, $0xFFFFFFFF, v29;
	v16 =	vsel vm11, v14, v16;
	v14 =	vsel vm11, v48, v14  }
0x9c: {  	v20 =	vsel vm13, v60, v21;
	v16 =	vadd.f32 v16, v17;
	v15 =	vadd.f32 v14, v15  }
0x9d: {  	v30 =	vld [tilespmem:s13+$0xE180];
	v14 =	vadd.f32 v14, v17;
	v17 =	vsel vm5, v56, v61;
	vm5 =	vgt.f32 v56, v28  }
0x9e: {  	[tilespmem:$0x1FEF0] =	vst v22;
	v22 =	vsel vm1, $0x2, v54;
	v48 =	vimm.s32 $0x0;
	v32 =	vsel vm5, v28, v17  }
0x9f: {  	v54 =	vld [tilespmem:$0x1FE40];
	v17 =	vsel vm7, v60, v33;
	v60 =	vpop (erf);
	v33 =	vsel vm14, $0x1, v0;
	vm4 =	vge.f32 v16, v15  }
0xa0: {  	[tilespmem:s13+$0x12080] =	vst v1;
	vm9 =	vgt.f32 v62, v32;
	v17 =	vsel vm13, v21, v17;
	v1 =	vmul.f32 v60, v10  }
0xa1: {  	v34 =	vld [tilespmem:s13+$0xC280];
	[tilespmem:$0x1FED0] =	vst v27;
	v27 =	vsel vm4, $0xFFFFFFFF, v63;
	v15 =	vsel vm4, v16, v15;
	v16 =	vsel vm5, v56, v28  }
0xa2: {  	v55 =	vld [tilespmem:$0x1FE50];
	[tilespmem:$0x1FF20] =	vst v26;
	v26 =	vsel vm9, $0xFFFFFFFF, v37;
	vm10 =	vgt.f32 v30, v17;
	v14 =	vsub.f32 v15, v14  }
0xa3: {  	v36 =	vld [tilespmem:s13+$0xE200];
	v15 =	vsel vm9, v62, v32;
	vm3 =	vgt.f32 v62, v16;
	v21 =	vsel vm10, $0xFFFFFFFF, v38  }
0xa4: {  	v17 =	vsel vm10, v30, v17;
	vm10 =	vgt.f32 v30, v20;
	vm0 =	vnez.u8 v54  }
0xa5: {  	[tilespmem:s13+$0x10180] =	vst v1;
	v1 =	vshll.u32 v8, $0x3;
	v15 =	vsel vm3, v16, v15;
	v16 =	vsel vm3, v62, v16  }
0xa6: {  	v40 =	vld [tilespmem:s13+$0xC300];
	[tilespmem:$0x1FF00] =	vst v18;
	v17 =	vsel vm10, v20, v17;
	v18 =	vsel vm10, v30, v20;
	v13 =	vsel vm0, v12, v13  }
0xa7: {  	v39 =	vld [tilespmem:s13+$0xE280];
	v12 =	vsel vm0, $0x5, v12;
	vm0 =	vnez.u8 v55;
	v1 =	vadd.s32 v9, v1  }
0xa8: {  	v56 =	vld [tilespmem:$0x1FE60];
	v14 =	vmul.f32 $1.442695020e+00, v14;
	vm11 =	vgt.f32 v34, v15;
	vm12 =	vgt.f32 v36, v17  }
0xa9: {  	vm2 =	vgt.f32 v34, v16;
	vm6 =	vgt.f32 v36, v18;
	v13 =	vsel vm0, $0x6, v13  }
0xaa: {  	[tilespmem:$0x1FF30] =	vst v26;
	v26 =	vsel vm11, $0xFFFFFFFF, v41;
	v15 =	vsel vm11, v34, v15;
	v20 =	vsel vm12, $0xFFFFFFFF, v42  }
0xab: {  	v45 =	vld [tilespmem:s13+$0xC380];
	v17 =	vsel vm12, v36, v17;
	(erf) = vpow2.f32 v14;
	v44 =	vsel vm2, v16, v15  }
0xac: {  	v43 =	vld [tilespmem:s13+$0xE300];
	v17 =	vsel vm6, v18, v17;
	v16 =	vsel vm2, v34, v16;
	v18 =	vsel vm6, v36, v18  }
0xad: {  	vm0 =	vnez.u8 v56;
	vm4 =	vgt.f32 v39, v17;
	vm7 =	vgt.f32 v40, v44  }
0xae: {  	[tilespmem:$0x1FEE0] =	vst v24;
	vm9 =	vgt.f32 v39, v18;
	v24 =	vsel vm4, $0xFFFFFFFF, v46;
	v17 =	vsel vm4, v39, v17  }
0xaf: {  	v47 =	vld [tilespmem:s13+$0xE380];
	[tilespmem:$0x1FF70] =	vst v25;
	v25 =	vsel vm7, $0xFFFFFFFF, v48;
	v14 =	vsel vm7, v40, v44;
	vm4 =	vgt.f32 v40, v16  }
0xb0: {  	v17 =	vsel vm9, v18, v17;
	v14 =	vsel vm4, v16, v14;
	v18 =	vsel vm9, v39, v18  }
0xb1: {  	v16 =	vsel vm4, v40, v16;
	vm11 =	vgt.f32 v43, v17;
	vm12 =	vgt.f32 v45, v14  }
0xb2: {  	[tilespmem:$0x1FF80] =	vst v21;
	vm7 =	vgt.f32 v43, v18;
	v21 =	vsel vm11, $0xFFFFFFFF, v49;
	v17 =	vsel vm11, v43, v17  }
0xb3: {  	v14 =	vsel vm12, v45, v14;
	[tilespmem:$0x1FFC0] =	vst v21;
	v21 =	vsel vm12, $0xFFFFFFFF, v50;
	v17 =	vsel vm7, v18, v17  }
0xb4: {  	v59 =	vld [tilespmem:$0x1FE70];
	v18 =	vsel vm7, v43, v18;
	vm12 =	vgt.f32 v45, v16;
	vm11 =	vgt.f32 v47, v17  }
0xb5: {  	v19 =	vsel vm11, $0xFFFFFFFF, v51;
	v17 =	vsel vm11, v47, v17;
	vm11 =	vgt.f32 v47, v18  }
0xb6: {  	v31 =	vld [tilespmem:$0x1FEC0];
	v56 =	vshll.u32 v6, $0x3;
	v15 =	vsel vm12, v45, v16;
	v52 =	vsel vm11, v18, v17  }
0xb7: {  	v61 =	vld [tilespmem:$0x1FE80];
	v14 =	vsel vm12, v16, v14;
	v53 =	vsel vm11, v47, v18;
	v63 =	vpop (erf);
	v16 =	vadd.f32 v52, v15  }
0xb8: {  	v62 =	vld [tilespmem:$0x1FE90];
	v57 =	vsel vm0, $0x3, v22;
	v14 =	vadd.f32 v53, v14;
	v29 =	vadd.f32 $1.000000000e+00, v63  }
0xb9: {  	[tilespmem:s13+$0x10080] =	vst v5;
	v28 =	vld [tilespmem:$0x1FEA0];
	v5 =	vadd.s32 v56, v7;
	v18 =	vsel vm0, v22, v23;
	vm0 =	vnez.u8 v59  }
0xba: {  	v30 =	vld [tilespmem:$0x1FEB0];
	v15 =	vadd.f32 v53, v15;
	vm1 =	vge.f32 v16, v14;
	(erf) = vrcp.f32 v29  }
0xbb: {  	v35 =	vld [tilespmem:$0x1FEE0];
	v17 =	vsel vm1, $0xFFFFFFFF, v58;
	v14 =	vsel vm1, v16, v14;
	vm1 =	vnez.u8 v31  }
0xbc: {  	v34 =	vld [tilespmem:$0x1FED0];
	[tilespmem:$0x1FFF0] =	vst v17;
	v17 =	vsel vm0, $0x4, v18;
	vm0 =	vnez.u8 v61;
	v14 =	vsub.f32 v14, v15  }
0xbd: {  	v37 =	vld [tilespmem:$0x1FF00];
	v13 =	vsel vm0, v12, v13;
	v12 =	vsel vm0, $0x6, v12;
	vm0 =	vnez.u8 v62  }
0xbe: {  	v38 =	vld [tilespmem:$0x1FF10];
	v17 =	vsel vm0, v57, v17;
	v18 =	vsel vm0, $0x4, v57;
	vm0 =	vnez.u8 v28  }
0xbf: {  	[tilespmem:$0x1FF40] =	vst v27;
	v36 =	vld [tilespmem:$0x1FEF0];
	v14 =	vmul.f32 $1.442695020e+00, v14;
	v17 =	vsel vm0, $0x5, v17;
	vm0 =	vnez.u8 v30  }
0xc0: {  	v41 =	vld [tilespmem:$0x1FF40];
	v13 =	vsel vm0, $0x7, v13;
	v17 =	vsel vm15, v18, v17;
	v18 =	vsel vm15, $0x5, v18  }
0xc1: {  	[tilespmem:$0x1FF50] =	vst v26;
	v39 =	vld [tilespmem:$0x1FF20];
	vm0 =	vmneg vm14;
	(erf) = vpow2.f32 v14;
	vm15 =	vnez.u8 v34  }
0xc2: {  	v42 =	vld [tilespmem:$0x1FF50];
	vm14 =	vnez.u8 v35;
	v17 =	vsel vm1, $0x6, v17;
	v32 =	vsel vm0, $0x1, v0  }
0xc3: {  	v43 =	vld [tilespmem:$0x1FF60];
	[tilespmem:$0x1FFE0] =	vst v19;
	v14 =	vsel vm8, $0x2, v33;
	v19 =	vsel vm15, $0x2, v32;
	v17 =	vsel vm14, v18, v17  }
0xc4: {  	v18 =	vsel vm14, $0x6, v18;
	vm15 =	vnez.u8 v36;
	vm14 =	vnez.u8 v38  }
0xc5: {  	v40 =	vld [tilespmem:$0x1FF30];
	v17 =	vsel vm15, $0x7, v17;
	v19 =	vsel vm8, v33, v19;
	vm8 =	vnez.u8 v37  }
0xc6: {  	v47 =	vld [tilespmem:$0x1FF70];
	v13 =	vsel vm14, v12, v13;
	v12 =	vsel vm14, $0x7, v12;
	vm15 =	vnez.u8 v39  }
0xc7: {  	[tilespmem:$0x1FF90] =	vst v20;
	vm14 =	vnez.u8 v42;
	v19 =	vsel vm8, $0x3, v19;
	v17 =	vsel vm15, v18, v17  }
0xc8: {  	[tilespmem:s13+$0x10100] =	vst v60;
	v53 =	vld [tilespmem:$0x1FF90];
	v45 =	vpop (erf);
	v18 =	vsel vm15, $0x7, v18;
	vm8 =	vnez.u8 v41;
	vm15 =	vnez.u8 v43  }
0xc9: {  	[tilespmem:s13+$0x12180] =	vst v1;
	v1 =	vmul.f32 v45, v63;
	v60 =	vshll.u32 v12, $0x3;
	v19 =	vsel vm5, v14, v19  }
0xca: {  	[tilespmem:s13+$0x12100] =	vst v5;
	v14 =	vsel vm5, $0x3, v14;
	vm5 =	vnez.u8 v40;
	v13 =	vsel vm8, v12, v13  }
0xcb: {  	[tilespmem:$0x1FFA0] =	vst v25;
	v50 =	vld [tilespmem:$0x1FF80];
	v17 =	vsel vm8, v17, v18;
	v46 =	vsel vm15, $0x1, v0;
	vm8 =	vnez.u8 v47  }
0xcc: {  	[tilespmem:$0x1FFB0] =	vst v24;
	v2 =	vld [tilespmem:$0x1FFA0];
	v5 =	vadd.s32 v60, v18;
	v19 =	vsel vm5, $0x4, v19;
	vm5 =	vmneg vm15  }
0xcd: {  	v22 =	vsel vm13, $0x2, v46;
	vm15 =	vnez.u8 v53;
	[tilespmem:s13+$0x10280] =	vst v1;
	v1 =	vshll.u32 v13, $0x3;
	v48 =	vpop (erf)  }
0xce: {  	v55 =	vld [tilespmem:$0x1FFB0];
	[tilespmem:$0x1FFD0] =	vst v21;
	v19 =	vsel vm3, v14, v19;
	v44 =	vsel vm5, $0x1, v0;
	v49 =	vadd.f32 $1.000000000e+00, v48  }
0xcf: {  	v59 =	vld [tilespmem:$0x1FFD0];
	v14 =	vsel vm3, $0x4, v14;
	v19 =	vsel vm14, $0x5, v19;
	v20 =	vsel vm8, $0x2, v44  }
0xd0: {  	v58 =	vld [tilespmem:$0x1FFC0];
	vm14 =	vnez.u8 v50;
	v20 =	vsel vm13, v46, v20;
	(erf) = vrcp.f32 v49  }
0xd1: {  	v61 =	vld [tilespmem:$0x1FFE0];
	v52 =	vsel vm10, $0x3, v22;
	vm5 =	vnez.u8 v2;
	v20 =	vsel vm14, $0x3, v20  }
0xd2: {  	v1 =	vadd.s32 v17, v1;
	v54 =	vsel vm6, $0x4, v52;
	v51 =	vsel vm10, v22, v20  }
0xd3: {  	vm8 =	vnez.u8 v55;
	v19 =	vsel vm2, v14, v19;
	v4 =	vsel vm15, $0x4, v51  }
0xd4: {  	[tilespmem:s13+$0x12000] =	vst v3;
	v63 =	vld [tilespmem:$0x1FFF0];
	v14 =	vsel vm2, $0x5, v14;
	vm13 =	vnez.u8 v59;
	v3 =	vsel vm6, v52, v4  }
0xd5: {  	v2 =	vsel vm5, $0x6, v19;
	v57 =	vsel vm4, $0x6, v14;
	v3 =	vsel vm8, $0x5, v3  }
0xd6: {  	vm14 =	vnez.u8 v61;
	vm10 =	vnez.u8 v58;
	v3 =	vsel vm9, v54, v3  }
0xd7: {  	[tilespmem:s13+$0x10000] =	vst v11;
	v2 =	vsel vm4, v14, v2;
	v4 =	vsel vm9, $0x5, v54;
	v3 =	vsel vm10, $0x6, v3  }
0xd8: {  	[tilespmem:s13+$0x10200] =	vst v45;
	v6 =	vsel vm12, $0x7, v57;
	v2 =	vsel vm13, $0x7, v2;
	v3 =	vsel vm7, v4, v3  }
0xd9: {  	p0 =	sne.s32 s12, $0x3F0;
	[tilespmem:s13+$0x12200] =	vst v5;
	vm15 =	vnez.u8 v63;
	v4 =	vsel vm7, $0x6, v4;
	v3 =	vsel vm14, $0x7, v3;
	v62 =	vpop (erf)  }
.Ltmp0:
0xda: {  	[tilespmem:s13+$0x12280] =	vst v1;
	v2 =	vsel vm12, v57, v2;
	v1 =	vsel vm11, v4, v3;
	v3 =	vmul.f32 v62, v48;
	(pc) =	sbr.rel @p0 .LBB2_2-.Ltmp0, $4  }
0xdb: {  	v2 =	vsel vm15, v6, v2;
	v6 =	vshll.u32 v6, $0x3;
	v4 =	vsel vm11, $0x7, v4;
	[tilespmem:s13+$0x10300] =	vst v62  }
0xdc: {  	v2 =	vshll.u32 v2, $0x3;
	v1 =	vsel vm15, v1, v4;
	v4 =	vadd.s32 v6, v4;
	[tilespmem:s14+$0x10000] =	vst v3  }
0xdd: {  	v1 =	vadd.s32 v1, v2;
	[tilespmem:s13+$0x12300] =	vst v4  }
0xde: {  	s11 =	sadd.s32 $0x80, s11;
	s12 =	sadd.s32 $0x10, s12;
	[tilespmem:s14+$0x12000] =	vst v1  }
0xdf: {  	[hbm4b:s4+s2] =	stream.linear.scatter [tilespmem:s8], [sflag:$0x1], $0x2000, $0x38;
	[tilespmem:$0x14000] =	vst v63  }
0xe0: {  	s10 =	sadd.s32 $0x1, s10;
	_ =	swait.ge [sflag:s7], $0x2000  }
0xe1: {  	p0 =	sne.s32 s10, s6;
	[sflag:s7] =	ssyncset.done $0x0  }
.Ltmp1:
0xe2: {  	[sflag:s7] =	ssyncadd.s32 $0xFFFFE000;
	(pc) =	sbr.rel @p0 .LBB2_1-.Ltmp1, $4  }
0xe3: {  	[hbm4b:s5+s2] =	stream.linear.scatter [tilespmem:s9], [sflag:$0x1], $0x2000, $0x38;
	[tilespmem:$0x14000] =	vst v63  }
0xe4: {  	_ =	swait.ge [sflag:s7], $0x2000  }
0xe5: {  	[sflag:s7] =	ssyncset.done $0x0  }
0xe6: {  	[sflag:s7] =	ssyncadd.s32 $0xFFFFE000  }
0xe7: {  	_ =	sfence.sel $0x180000  }
0xe8: {  	[bflag:$0x0] =	sbarrier.arrive $0xFFFF  }
0xe9: {  	p0 =	sne.s32 s1, $0x0;
	_ =	strace $0x90000047  }
0xea: {  	s0 =	sadd.s32 @!p0 $0x100000, s0;
	[bflag:$0x2] =	sbarrier.arrive $0xFFFF  }
0xeb: {  	[sflag:s0] =	ssyncadd.tile.s32 @!p0 $0x1;
	_ =	shalt  }
.Lfunc_end2:
_tile_overlayer_lowered:
.L_overlay_start_2:
0xec: {  	(tag) =	ssettag $0x2  }
0xed: {  	s0 =	rddreg [dreg:$0x0];
	s2 =	stileid.u32  }
0xee: {  	s1 =	rddreg [dreg:$0x1];
	p0 =	sne.s32 s2, $0x0  }
0xef: {  	s3 =	rddreg [dreg:$0x2];
	[bflag:$0x3] =	sbarrier.arrive $0xFFFF;
	s2 =	simm.s32 @!p0 $0x1C01  }
0xf0: {  	[timem:s3], [sflag:s2] =	dma.local @!p0 [hbm:s0], s1  }
0xf1: {  	s0 =	simm.s32 @!p0 $0x1  }
0xf2: {  	_ =	swait.ge @!p0 [sflag:s0], s1  }
0xf3: {  	s1 =	ssub.s32 @!p0 $0x0, s1;
	[sflag:s0] =	ssyncset.done @!p0 $0x0  }
0xf4: {  	[sflag:s0] =	ssyncadd.s32 @!p0 s1  }
0xf5: {  	[bflag:$0x3] =	sbarrier.arrive $0xFFFF  }
0xf6: {  	_ =	shalt  }

</sc_bundles>
